<compile_context>
chip_gen: v7x
topology: tpu7x:2x2x1
jax: 0.10.2.dev20260603
libtpu: 0.0.44.dev20260713+nightly
codegen_flags: <defaults>
</compile_context>

<pallas_src>
import jax
import jax.numpy as jnp
from jax import lax
from jax.experimental import pallas as pl
from jax.experimental.pallas import tpu as pltpu
from jax.experimental.pallas import tpu_sc as plsc

N_USER = 10000
N_ITEM = 10000
D = 128
E = 160000
NS = 16
CHUNK = 128
EP = 163840
ROWS_ALL = EP // 128
ROWS_TILE = ROWS_ALL // 2 // NS
NPAIRS = ROWS_TILE // 2
PAD = 10112
TILE_ROWS = PAD // NS


def _body(xu, xi, su2i, du2i, si2u, di2u, suu, duu,
          pu, pi,
          acc, idx_s, idx_d, buf_a, buf_b, gsem_a, gsem_b, ssem_a, ssem_b):
    c = lax.axis_index("c")
    s = lax.axis_index("s")
    base = s * TILE_ROWS
    row0 = c * (ROWS_ALL // 2) + s * ROWS_TILE

    zeros16 = jnp.zeros((16,), jnp.float32)

    def zero_buf_row(i, carry):
        for q in range(D // 16):
            buf_a[i, pl.ds(q * 16, 16)] = zeros16
        return carry

    def zero_acc():
        lax.fori_loop(0, CHUNK, zero_buf_row, 0)
        off = 0
        while off < TILE_ROWS:
            n = min(CHUNK, TILE_ROWS - off)
            pltpu.sync_copy(buf_a.at[pl.ds(0, n)],
                            acc.at[pl.ds(base + off, n)])
            off += n

    def run_type(table, src_rows, dst_rows):
        pltpu.sync_copy(src_rows.at[pl.ds(row0, ROWS_TILE)], idx_s)
        pltpu.sync_copy(dst_rows.at[pl.ds(row0, ROWS_TILE)], idx_d)
        pltpu.async_copy(table.at[idx_s.at[0]], buf_a, gsem_a)

        def pair(p, carry):
            r_e = 2 * p
            r_o = 2 * p + 1
            pltpu.make_async_copy(table.at[idx_s.at[r_e]],
                                  buf_a, gsem_a).wait()

            @pl.when(p > 0)
            def _():
                pltpu.make_async_copy(buf_b, acc.at[idx_d.at[r_o - 2]],
                                      ssem_b).wait()

            pltpu.async_copy(table.at[idx_s.at[r_o]], buf_b, gsem_b)
            pltpu.async_copy(buf_a, acc.at[idx_d.at[r_e]], ssem_a, add=True)
            pltpu.make_async_copy(table.at[idx_s.at[r_o]],
                                  buf_b, gsem_b).wait()
            pltpu.make_async_copy(buf_a, acc.at[idx_d.at[r_e]],
                                  ssem_a).wait()

            @pl.when(p < NPAIRS - 1)
            def _():
                pltpu.async_copy(table.at[idx_s.at[r_e + 2]], buf_a, gsem_a)

            pltpu.async_copy(buf_b, acc.at[idx_d.at[r_o]], ssem_b, add=True)
            return carry

        lax.fori_loop(0, NPAIRS, pair, 0)
        pltpu.make_async_copy(buf_b, acc.at[idx_d.at[ROWS_TILE - 1]],
                              ssem_b).wait()

    def writeout(out_ref):
        pltpu.sync_copy(acc.at[pl.ds(base, TILE_ROWS)],
                        out_ref.at[c, pl.ds(base, TILE_ROWS)])

    zero_acc()
    plsc.subcore_barrier()
    run_type(xu, su2i, du2i)
    plsc.subcore_barrier()
    writeout(pi)
    zero_acc()
    plsc.subcore_barrier()
    run_type(xi, si2u, di2u)
    run_type(xu, suu, duu)
    plsc.subcore_barrier()
    writeout(pu)


def _make_sc_call():
    mesh = plsc.VectorSubcoreMesh(core_axis_name="c", subcore_axis_name="s",
                                  num_cores=2, num_subcores=NS)
    return pl.kernel(
        _body,
        out_type=[jax.ShapeDtypeStruct((2, PAD, D), jnp.float32)] * 2,
        mesh=mesh,
        scratch_types=[
            pltpu.VMEM_SHARED((PAD, D), jnp.float32),
            pltpu.VMEM((ROWS_TILE, 128), jnp.int32),
            pltpu.VMEM((ROWS_TILE, 128), jnp.int32),
            pltpu.VMEM((CHUNK, D), jnp.float32),
            pltpu.VMEM((CHUNK, D), jnp.float32),
            pltpu.SemaphoreType.DMA,
            pltpu.SemaphoreType.DMA,
            pltpu.SemaphoreType.DMA,
            pltpu.SemaphoreType.DMA,
        ],
    )


_sc_call_cache = None


def _get_sc_call():
    global _sc_call_cache
    if _sc_call_cache is None:
        _sc_call_cache = _make_sc_call()
    return _sc_call_cache


def _pad_split(ei):
    ei = ei.astype(jnp.int32)
    npad = EP - E
    r = jnp.arange(npad, dtype=jnp.int32)
    src = jnp.concatenate([ei[0], r % 16]).reshape(ROWS_ALL, 128)
    dst = jnp.concatenate([ei[1], N_USER + (r % (PAD - N_USER))]).reshape(
        ROWS_ALL, 128)
    return src, dst


@jax.jit
def kernel(x_user, x_item, edge_index_u2i, edge_index_i2u, edge_index_uu):
    su2i, du2i = _pad_split(edge_index_u2i)
    si2u, di2u = _pad_split(edge_index_i2u)
    suu, duu = _pad_split(edge_index_uu)
    pu, pi = _get_sc_call()(
        x_user, x_item, su2i, du2i, si2u, di2u, suu, duu)
    out_user = pu[0, :N_USER] + pu[1, :N_USER]
    out_item = pi[0, :N_ITEM] + pi[1, :N_ITEM]
    return (out_user, out_item)

# --- scband reference (transcript-rebuilt; emitter-appended) ---
"""Pipeline reference for scband-hetero-routing-43937515438508 (READ-ONLY COPY).

The authoritative reference and input builder live on the scoring server;
editing this copy changes nothing except your own understanding.
"""

import jax, jax.numpy as jnp
import numpy as np

N_USER = 10000
N_ITEM = 10000
D_FEAT = 128
N_EDGE = 160000


def setup_inputs(seed: int = 0) -> dict:
    key = jax.random.key(seed)
    k1, k2, k3, k4, k5 = jax.random.split(key, 5)
    x_user = jax.random.normal(k1, (N_USER, D_FEAT), dtype=jnp.float32)
    x_item = jax.random.normal(k2, (N_ITEM, D_FEAT), dtype=jnp.float32)
    # edge types: (user, to, item), (item, rev_to, user), (user, follows, user)
    edge_index_u2i = jnp.stack([
        jax.random.randint(jax.random.fold_in(k3, 0), (N_EDGE,), 0, N_USER),
        jax.random.randint(jax.random.fold_in(k3, 1), (N_EDGE,), 0, N_ITEM),
    ], axis=0).astype(jnp.int64)
    edge_index_i2u = jnp.stack([
        jax.random.randint(jax.random.fold_in(k4, 0), (N_EDGE,), 0, N_ITEM),
        jax.random.randint(jax.random.fold_in(k4, 1), (N_EDGE,), 0, N_USER),
    ], axis=0).astype(jnp.int64)
    edge_index_uu = jnp.stack([
        jax.random.randint(jax.random.fold_in(k5, 0), (N_EDGE,), 0, N_USER),
        jax.random.randint(jax.random.fold_in(k5, 1), (N_EDGE,), 0, N_USER),
    ], axis=0).astype(jnp.int64)
    return {
        'x_user': x_user,
        'x_item': x_item,
        'edge_index_u2i': edge_index_u2i,
        'edge_index_i2u': edge_index_i2u,
        'edge_index_uu': edge_index_uu,
    }


def _internal_forward(x_src, edge_index, num_dst):
    # homogeneous message passing: gather src features along edges,
    # scatter-add into destination nodes (sum aggregation)
    msg = jnp.take(x_src, edge_index[0], axis=0)
    return jax.ops.segment_sum(msg, edge_index[1], num_segments=num_dst)


def reference(x_user, x_item, edge_index_u2i, edge_index_i2u, edge_index_uu):
    # HeteroRouting.forward: iterate accepted edge types, run internal conv,
    # collect per-dst outputs, then group with aggr='sum'
    out_item = _internal_forward(x_user, edge_index_u2i, x_item.shape[0])
    out_user_a = _internal_forward(x_item, edge_index_i2u, x_user.shape[0])
    out_user_b = _internal_forward(x_user, edge_index_uu, x_user.shape[0])
    # _group_out with aggr='sum': user has two contributions, item has one
    out_user = out_user_a + out_user_b
    return (out_user, out_item)

if __name__ == "__main__":
    import jax
    _d = setup_inputs()
    print(jax.jit(kernel)(*tuple(_d.values())))

</pallas_src>

<mosaic_0001>
#map = affine_map<(d0, d1) -> (0, 0)>
#map1 = affine_map<(d0, d1) -> (0, 0, 0)>
module attributes {stable_mosaic.version = 14 : i64} {
  func.func @_body(%arg0: i32, %arg1: i32, %arg2: memref<10000x128xf32, #tpu.memory_space<hbm>>, %arg3: memref<10000x128xf32, #tpu.memory_space<hbm>>, %arg4: memref<1280x128xi32, #tpu.memory_space<hbm>>, %arg5: memref<1280x128xi32, #tpu.memory_space<hbm>>, %arg6: memref<1280x128xi32, #tpu.memory_space<hbm>>, %arg7: memref<1280x128xi32, #tpu.memory_space<hbm>>, %arg8: memref<1280x128xi32, #tpu.memory_space<hbm>>, %arg9: memref<1280x128xi32, #tpu.memory_space<hbm>>, %arg10: memref<2x10112x128xf32, #tpu.memory_space<hbm>>, %arg11: memref<2x10112x128xf32, #tpu.memory_space<hbm>>, %arg12: memref<10112x128xf32, #tpu.memory_space<vmem_shared>>, %arg13: memref<40x128xi32, #tpu.memory_space<vmem>>, %arg14: memref<40x128xi32, #tpu.memory_space<vmem>>, %arg15: memref<128x128xf32, #tpu.memory_space<vmem>>, %arg16: memref<128x128xf32, #tpu.memory_space<vmem>>, %arg17: memref<!tpu.dma_semaphore, #tpu.memory_space<semaphore_mem>>, %arg18: memref<!tpu.dma_semaphore, #tpu.memory_space<semaphore_mem>>, %arg19: memref<!tpu.dma_semaphore, #tpu.memory_space<semaphore_mem>>, %arg20: memref<!tpu.dma_semaphore, #tpu.memory_space<semaphore_mem>>) attributes {dimension_semantics = [#tpu.dimension_semantics<core_parallel>, #tpu.dimension_semantics<subcore_parallel>], iteration_bounds = array<i64: 2, 16>, scalar_prefetch = 0 : i64, scratch_operands = 9 : i64, tpu.core_type = #tpu.core_type<sc_vector_subcore>, window_params = [{transform_indices = #map}, {transform_indices = #map}, {transform_indices = #map}, {transform_indices = #map}, {transform_indices = #map}, {transform_indices = #map}, {transform_indices = #map}, {transform_indices = #map}, {transform_indices = #map1}, {transform_indices = #map1}]} {
    %mul3A = arith.constant 632 : i32
    %mul3A_0 = arith.muli %arg1, %mul3A : i32
    %mul3A_1 = arith.constant 640 : i32
    %mul3A_2 = arith.muli %arg0, %mul3A_1 : i32
    %mul3A_3 = arith.constant 40 : i32
    %mul3A_4 = arith.muli %arg1, %mul3A_3 : i32
    %add3A = arith.addi %mul3A_2, %mul3A_4 : i32
    %broadcast_in_dim3A = arith.constant 0.000000e+00 : f32
    %broadcast_in_dim3A_5 = vector.broadcast %broadcast_in_dim3A : f32 to vector<16xf32>
    %scan3A = arith.constant 0 : i32
    %scan3A_6 = arith.constant 0 : i32
    %scan3A_7 = arith.constant 128 : i32
    %scan3A_8 = arith.addi %scan3A_6, %scan3A_7 : i32
    %scan3A_9 = arith.constant 1 : i32
    scf.for %scan3A_98 = %scan3A_6 to %scan3A_8 step %scan3A_9  : i32 {
      %swap3A = arith.index_cast %scan3A_98 : i32 to index
      %swap3A_99 = arith.constant 0 : index
      %swap3A_100 = tpu.vector_load %arg15[%swap3A, %swap3A_99] {strides = array<i32>} : memref<128x128xf32, #tpu.memory_space<vmem>>, vector<1x16xf32>,
      %swap3A_101 = vector.shape_cast %swap3A_100 : vector<1x16xf32> to vector<16xf32>
      %swap3A_102 = vector.shape_cast %broadcast_in_dim3A_5 : vector<16xf32> to vector<1x16xf32>
      tpu.vector_store %arg15[%swap3A, %swap3A_99], %swap3A_102 {strides = array<i32>} : memref<128x128xf32, #tpu.memory_space<vmem>>, vector<1x16xf32>,
      %swap3A_103 = arith.index_cast %scan3A_98 : i32 to index
      %swap3A_104 = arith.constant 16 : index
      %swap3A_105 = tpu.vector_load %arg15[%swap3A_103, %swap3A_104] {strides = array<i32>} : memref<128x128xf32, #tpu.memory_space<vmem>>, vector<1x16xf32>,
      %swap3A_106 = vector.shape_cast %swap3A_105 : vector<1x16xf32> to vector<16xf32>
      %swap3A_107 = vector.shape_cast %broadcast_in_dim3A_5 : vector<16xf32> to vector<1x16xf32>
      tpu.vector_store %arg15[%swap3A_103, %swap3A_104], %swap3A_107 {strides = array<i32>} : memref<128x128xf32, #tpu.memory_space<vmem>>, vector<1x16xf32>,
      %swap3A_108 = arith.index_cast %scan3A_98 : i32 to index
      %swap3A_109 = arith.constant 32 : index
      %swap3A_110 = tpu.vector_load %arg15[%swap3A_108, %swap3A_109] {strides = array<i32>} : memref<128x128xf32, #tpu.memory_space<vmem>>, vector<1x16xf32>,
      %swap3A_111 = vector.shape_cast %swap3A_110 : vector<1x16xf32> to vector<16xf32>
      %swap3A_112 = vector.shape_cast %broadcast_in_dim3A_5 : vector<16xf32> to vector<1x16xf32>
      tpu.vector_store %arg15[%swap3A_108, %swap3A_109], %swap3A_112 {strides = array<i32>} : memref<128x128xf32, #tpu.memory_space<vmem>>, vector<1x16xf32>,
      %swap3A_113 = arith.index_cast %scan3A_98 : i32 to index
      %swap3A_114 = arith.constant 48 : index
      %swap3A_115 = tpu.vector_load %arg15[%swap3A_113, %swap3A_114] {strides = array<i32>} : memref<128x128xf32, #tpu.memory_space<vmem>>, vector<1x16xf32>,
      %swap3A_116 = vector.shape_cast %swap3A_115 : vector<1x16xf32> to vector<16xf32>
      %swap3A_117 = vector.shape_cast %broadcast_in_dim3A_5 : vector<16xf32> to vector<1x16xf32>
      tpu.vector_store %arg15[%swap3A_113, %swap3A_114], %swap3A_117 {strides = array<i32>} : memref<128x128xf32, #tpu.memory_space<vmem>>, vector<1x16xf32>,
      %swap3A_118 = arith.index_cast %scan3A_98 : i32 to index
      %swap3A_119 = arith.constant 64 : index
      %swap3A_120 = tpu.vector_load %arg15[%swap3A_118, %swap3A_119] {strides = array<i32>} : memref<128x128xf32, #tpu.memory_space<vmem>>, vector<1x16xf32>,
      %swap3A_121 = vector.shape_cast %swap3A_120 : vector<1x16xf32> to vector<16xf32>
      %swap3A_122 = vector.shape_cast %broadcast_in_dim3A_5 : vector<16xf32> to vector<1x16xf32>
      tpu.vector_store %arg15[%swap3A_118, %swap3A_119], %swap3A_122 {strides = array<i32>} : memref<128x128xf32, #tpu.memory_space<vmem>>, vector<1x16xf32>,
      %swap3A_123 = arith.index_cast %scan3A_98 : i32 to index
      %swap3A_124 = arith.constant 80 : index
      %swap3A_125 = tpu.vector_load %arg15[%swap3A_123, %swap3A_124] {strides = array<i32>} : memref<128x128xf32, #tpu.memory_space<vmem>>, vector<1x16xf32>,
      %swap3A_126 = vector.shape_cast %swap3A_125 : vector<1x16xf32> to vector<16xf32>
      %swap3A_127 = vector.shape_cast %broadcast_in_dim3A_5 : vector<16xf32> to vector<1x16xf32>
      tpu.vector_store %arg15[%swap3A_123, %swap3A_124], %swap3A_127 {strides = array<i32>} : memref<128x128xf32, #tpu.memory_space<vmem>>, vector<1x16xf32>,
      %swap3A_128 = arith.index_cast %scan3A_98 : i32 to index
      %swap3A_129 = arith.constant 96 : index
      %swap3A_130 = tpu.vector_load %arg15[%swap3A_128, %swap3A_129] {strides = array<i32>} : memref<128x128xf32, #tpu.memory_space<vmem>>, vector<1x16xf32>,
      %swap3A_131 = vector.shape_cast %swap3A_130 : vector<1x16xf32> to vector<16xf32>
      %swap3A_132 = vector.shape_cast %broadcast_in_dim3A_5 : vector<16xf32> to vector<1x16xf32>
      tpu.vector_store %arg15[%swap3A_128, %swap3A_129], %swap3A_132 {strides = array<i32>} : memref<128x128xf32, #tpu.memory_space<vmem>>, vector<1x16xf32>,
      %swap3A_133 = arith.index_cast %scan3A_98 : i32 to index
      %swap3A_134 = arith.constant 112 : index
      %swap3A_135 = tpu.vector_load %arg15[%swap3A_133, %swap3A_134] {strides = array<i32>} : memref<128x128xf32, #tpu.memory_space<vmem>>, vector<1x16xf32>,
      %swap3A_136 = vector.shape_cast %swap3A_135 : vector<1x16xf32> to vector<16xf32>
      %swap3A_137 = vector.shape_cast %broadcast_in_dim3A_5 : vector<16xf32> to vector<1x16xf32>
      tpu.vector_store %arg15[%swap3A_133, %swap3A_134], %swap3A_137 {strides = array<i32>} : memref<128x128xf32, #tpu.memory_space<vmem>>, vector<1x16xf32>,
    }
    %scan3A_10 = arith.constant 128 : i32
    %add3A_11 = arith.constant 0 : i32
    %add3A_12 = arith.addi %mul3A_0, %add3A_11 : i32
    "tpu.region"() ({
      %run_scoped3A = tpu.sem_alloc : memref<!tpu.dma_semaphore, #tpu.memory_space<semaphore_mem>>
      %dma_start3A_98 = arith.constant 0 : i32
      %dma_start3A_99 = arith.constant 0 : i32
      %dma_start3A_100 = tpu.memref_slice %arg15[%dma_start3A_98, %dma_start3A_99] : memref<128x128xf32, #tpu.memory_space<vmem>> -> memref<128x128xf32, #tpu.memory_space<vmem>>
      %dma_start3A_101 = arith.constant 0 : i32
      %dma_start3A_102 = tpu.memref_slice %arg12[%add3A_12, %dma_start3A_101] : memref<10112x128xf32, #tpu.memory_space<vmem_shared>> -> memref<128x128xf32, #tpu.memory_space<vmem_shared>>
      %dma_start3A_103 = arith.constant 0 : i32
      %dma_start3A_104 = tpu.memref_slice %arg12[%add3A_12, %dma_start3A_103] : memref<10112x128xf32, #tpu.memory_space<vmem_shared>> -> memref<128x128xf32, #tpu.memory_space<vmem_shared>>
      %dma_start3A_105 = arith.constant 0 : i32
      %dma_start3A_106 = arith.constant 0 : i32
      %dma_start3A_107 = tpu.memref_slice %arg15[%dma_start3A_105, %dma_start3A_106] : memref<128x128xf32, #tpu.memory_space<vmem>> -> memref<128x128xf32, #tpu.memory_space<vmem>>
      tpu.enqueue_dma source(%dma_start3A_107 : memref<128x128xf32, #tpu.memory_space<vmem>>) target(%dma_start3A_104 : memref<128x128xf32, #tpu.memory_space<vmem_shared>>) target_semaphore(%run_scoped3A : memref<!tpu.dma_semaphore, #tpu.memory_space<semaphore_mem>>)
      %dma_wait3A_108 = arith.constant 0 : i32
      %dma_wait3A_109 = arith.constant 0 : i32
      %dma_wait3A_110 = tpu.memref_slice %arg15[%dma_wait3A_108, %dma_wait3A_109] : memref<128x128xf32, #tpu.memory_space<vmem>> -> memref<128x128xf32, #tpu.memory_space<vmem>>
      %dma_wait3A_111 = arith.constant 0 : i32
      %dma_wait3A_112 = tpu.memref_slice %arg12[%add3A_12, %dma_wait3A_111] : memref<10112x128xf32, #tpu.memory_space<vmem_shared>> -> memref<128x128xf32, #tpu.memory_space<vmem_shared>>
      %dma_wait3A_113 = arith.constant 0 : i32
      %dma_wait3A_114 = tpu.memref_slice %arg12[%add3A_12, %dma_wait3A_113] : memref<10112x128xf32, #tpu.memory_space<vmem_shared>> -> memref<128x128xf32, #tpu.memory_space<vmem_shared>>
      %dma_wait3A_115 = arith.constant 0 : i32
      %dma_wait3A_116 = arith.constant 0 : i32
      %dma_wait3A_117 = tpu.memref_slice %arg15[%dma_wait3A_115, %dma_wait3A_116] : memref<128x128xf32, #tpu.memory_space<vmem>> -> memref<128x128xf32, #tpu.memory_space<vmem>>
      tpu.wait_dma2 semaphore(%run_scoped3A : memref<!tpu.dma_semaphore, #tpu.memory_space<semaphore_mem>>) src(%dma_wait3A_117 : memref<128x128xf32, #tpu.memory_space<vmem>>) dst(%dma_wait3A_114 : memref<128x128xf32, #tpu.memory_space<vmem_shared>>)
      tpu.yield
    }) : () -> ()
    %add3A_13 = arith.constant 128 : i32
    %add3A_14 = arith.addi %mul3A_0, %add3A_13 : i32
    "tpu.region"() ({
      %run_scoped3A = tpu.sem_alloc : memref<!tpu.dma_semaphore, #tpu.memory_space<semaphore_mem>>
      %dma_start3A_98 = arith.constant 0 : i32
      %dma_start3A_99 = arith.constant 0 : i32
      %dma_start3A_100 = tpu.memref_slice %arg15[%dma_start3A_98, %dma_start3A_99] : memref<128x128xf32, #tpu.memory_space<vmem>> -> memref<128x128xf32, #tpu.memory_space<vmem>>
      %dma_start3A_101 = arith.constant 0 : i32
      %dma_start3A_102 = tpu.memref_slice %arg12[%add3A_14, %dma_start3A_101] : memref<10112x128xf32, #tpu.memory_space<vmem_shared>> -> memref<128x128xf32, #tpu.memory_space<vmem_shared>>
      %dma_start3A_103 = arith.constant 0 : i32
      %dma_start3A_104 = tpu.memref_slice %arg12[%add3A_14, %dma_start3A_103] : memref<10112x128xf32, #tpu.memory_space<vmem_shared>> -> memref<128x128xf32, #tpu.memory_space<vmem_shared>>
      %dma_start3A_105 = arith.constant 0 : i32
      %dma_start3A_106 = arith.constant 0 : i32
      %dma_start3A_107 = tpu.memref_slice %arg15[%dma_start3A_105, %dma_start3A_106] : memref<128x128xf32, #tpu.memory_space<vmem>> -> memref<128x128xf32, #tpu.memory_space<vmem>>
      tpu.enqueue_dma source(%dma_start3A_107 : memref<128x128xf32, #tpu.memory_space<vmem>>) target(%dma_start3A_104 : memref<128x128xf32, #tpu.memory_space<vmem_shared>>) target_semaphore(%run_scoped3A : memref<!tpu.dma_semaphore, #tpu.memory_space<semaphore_mem>>)
      %dma_wait3A_108 = arith.constant 0 : i32
      %dma_wait3A_109 = arith.constant 0 : i32
      %dma_wait3A_110 = tpu.memref_slice %arg15[%dma_wait3A_108, %dma_wait3A_109] : memref<128x128xf32, #tpu.memory_space<vmem>> -> memref<128x128xf32, #tpu.memory_space<vmem>>
      %dma_wait3A_111 = arith.constant 0 : i32
      %dma_wait3A_112 = tpu.memref_slice %arg12[%add3A_14, %dma_wait3A_111] : memref<10112x128xf32, #tpu.memory_space<vmem_shared>> -> memref<128x128xf32, #tpu.memory_space<vmem_shared>>
      %dma_wait3A_113 = arith.constant 0 : i32
      %dma_wait3A_114 = tpu.memref_slice %arg12[%add3A_14, %dma_wait3A_113] : memref<10112x128xf32, #tpu.memory_space<vmem_shared>> -> memref<128x128xf32, #tpu.memory_space<vmem_shared>>
      %dma_wait3A_115 = arith.constant 0 : i32
      %dma_wait3A_116 = arith.constant 0 : i32
      %dma_wait3A_117 = tpu.memref_slice %arg15[%dma_wait3A_115, %dma_wait3A_116] : memref<128x128xf32, #tpu.memory_space<vmem>> -> memref<128x128xf32, #tpu.memory_space<vmem>>
      tpu.wait_dma2 semaphore(%run_scoped3A : memref<!tpu.dma_semaphore, #tpu.memory_space<semaphore_mem>>) src(%dma_wait3A_117 : memref<128x128xf32, #tpu.memory_space<vmem>>) dst(%dma_wait3A_114 : memref<128x128xf32, #tpu.memory_space<vmem_shared>>)
      tpu.yield
    }) : () -> ()
    %add3A_15 = arith.constant 256 : i32
    %add3A_16 = arith.addi %mul3A_0, %add3A_15 : i32
    "tpu.region"() ({
      %run_scoped3A = tpu.sem_alloc : memref<!tpu.dma_semaphore, #tpu.memory_space<semaphore_mem>>
      %dma_start3A_98 = arith.constant 0 : i32
      %dma_start3A_99 = arith.constant 0 : i32
      %dma_start3A_100 = tpu.memref_slice %arg15[%dma_start3A_98, %dma_start3A_99] : memref<128x128xf32, #tpu.memory_space<vmem>> -> memref<128x128xf32, #tpu.memory_space<vmem>>
      %dma_start3A_101 = arith.constant 0 : i32
      %dma_start3A_102 = tpu.memref_slice %arg12[%add3A_16, %dma_start3A_101] : memref<10112x128xf32, #tpu.memory_space<vmem_shared>> -> memref<128x128xf32, #tpu.memory_space<vmem_shared>>
      %dma_start3A_103 = arith.constant 0 : i32
      %dma_start3A_104 = tpu.memref_slice %arg12[%add3A_16, %dma_start3A_103] : memref<10112x128xf32, #tpu.memory_space<vmem_shared>> -> memref<128x128xf32, #tpu.memory_space<vmem_shared>>
      %dma_start3A_105 = arith.constant 0 : i32
      %dma_start3A_106 = arith.constant 0 : i32
      %dma_start3A_107 = tpu.memref_slice %arg15[%dma_start3A_105, %dma_start3A_106] : memref<128x128xf32, #tpu.memory_space<vmem>> -> memref<128x128xf32, #tpu.memory_space<vmem>>
      tpu.enqueue_dma source(%dma_start3A_107 : memref<128x128xf32, #tpu.memory_space<vmem>>) target(%dma_start3A_104 : memref<128x128xf32, #tpu.memory_space<vmem_shared>>) target_semaphore(%run_scoped3A : memref<!tpu.dma_semaphore, #tpu.memory_space<semaphore_mem>>)
      %dma_wait3A_108 = arith.constant 0 : i32
      %dma_wait3A_109 = arith.constant 0 : i32
      %dma_wait3A_110 = tpu.memref_slice %arg15[%dma_wait3A_108, %dma_wait3A_109] : memref<128x128xf32, #tpu.memory_space<vmem>> -> memref<128x128xf32, #tpu.memory_space<vmem>>
      %dma_wait3A_111 = arith.constant 0 : i32
      %dma_wait3A_112 = tpu.memref_slice %arg12[%add3A_16, %dma_wait3A_111] : memref<10112x128xf32, #tpu.memory_space<vmem_shared>> -> memref<128x128xf32, #tpu.memory_space<vmem_shared>>
      %dma_wait3A_113 = arith.constant 0 : i32
      %dma_wait3A_114 = tpu.memref_slice %arg12[%add3A_16, %dma_wait3A_113] : memref<10112x128xf32, #tpu.memory_space<vmem_shared>> -> memref<128x128xf32, #tpu.memory_space<vmem_shared>>
      %dma_wait3A_115 = arith.constant 0 : i32
      %dma_wait3A_116 = arith.constant 0 : i32
      %dma_wait3A_117 = tpu.memref_slice %arg15[%dma_wait3A_115, %dma_wait3A_116] : memref<128x128xf32, #tpu.memory_space<vmem>> -> memref<128x128xf32, #tpu.memory_space<vmem>>
      tpu.wait_dma2 semaphore(%run_scoped3A : memref<!tpu.dma_semaphore, #tpu.memory_space<semaphore_mem>>) src(%dma_wait3A_117 : memref<128x128xf32, #tpu.memory_space<vmem>>) dst(%dma_wait3A_114 : memref<128x128xf32, #tpu.memory_space<vmem_shared>>)
      tpu.yield
    }) : () -> ()
    %add3A_17 = arith.constant 384 : i32
    %add3A_18 = arith.addi %mul3A_0, %add3A_17 : i32
    "tpu.region"() ({
      %run_scoped3A = tpu.sem_alloc : memref<!tpu.dma_semaphore, #tpu.memory_space<semaphore_mem>>
      %dma_start3A_98 = arith.constant 0 : i32
      %dma_start3A_99 = arith.constant 0 : i32
      %dma_start3A_100 = tpu.memref_slice %arg15[%dma_start3A_98, %dma_start3A_99] : memref<128x128xf32, #tpu.memory_space<vmem>> -> memref<128x128xf32, #tpu.memory_space<vmem>>
      %dma_start3A_101 = arith.constant 0 : i32
      %dma_start3A_102 = tpu.memref_slice %arg12[%add3A_18, %dma_start3A_101] : memref<10112x128xf32, #tpu.memory_space<vmem_shared>> -> memref<128x128xf32, #tpu.memory_space<vmem_shared>>
      %dma_start3A_103 = arith.constant 0 : i32
      %dma_start3A_104 = tpu.memref_slice %arg12[%add3A_18, %dma_start3A_103] : memref<10112x128xf32, #tpu.memory_space<vmem_shared>> -> memref<128x128xf32, #tpu.memory_space<vmem_shared>>
      %dma_start3A_105 = arith.constant 0 : i32
      %dma_start3A_106 = arith.constant 0 : i32
      %dma_start3A_107 = tpu.memref_slice %arg15[%dma_start3A_105, %dma_start3A_106] : memref<128x128xf32, #tpu.memory_space<vmem>> -> memref<128x128xf32, #tpu.memory_space<vmem>>
      tpu.enqueue_dma source(%dma_start3A_107 : memref<128x128xf32, #tpu.memory_space<vmem>>) target(%dma_start3A_104 : memref<128x128xf32, #tpu.memory_space<vmem_shared>>) target_semaphore(%run_scoped3A : memref<!tpu.dma_semaphore, #tpu.memory_space<semaphore_mem>>)
      %dma_wait3A_108 = arith.constant 0 : i32
      %dma_wait3A_109 = arith.constant 0 : i32
      %dma_wait3A_110 = tpu.memref_slice %arg15[%dma_wait3A_108, %dma_wait3A_109] : memref<128x128xf32, #tpu.memory_space<vmem>> -> memref<128x128xf32, #tpu.memory_space<vmem>>
      %dma_wait3A_111 = arith.constant 0 : i32
      %dma_wait3A_112 = tpu.memref_slice %arg12[%add3A_18, %dma_wait3A_111] : memref<10112x128xf32, #tpu.memory_space<vmem_shared>> -> memref<128x128xf32, #tpu.memory_space<vmem_shared>>
      %dma_wait3A_113 = arith.constant 0 : i32
      %dma_wait3A_114 = tpu.memref_slice %arg12[%add3A_18, %dma_wait3A_113] : memref<10112x128xf32, #tpu.memory_space<vmem_shared>> -> memref<128x128xf32, #tpu.memory_space<vmem_shared>>
      %dma_wait3A_115 = arith.constant 0 : i32
      %dma_wait3A_116 = arith.constant 0 : i32
      %dma_wait3A_117 = tpu.memref_slice %arg15[%dma_wait3A_115, %dma_wait3A_116] : memref<128x128xf32, #tpu.memory_space<vmem>> -> memref<128x128xf32, #tpu.memory_space<vmem>>
      tpu.wait_dma2 semaphore(%run_scoped3A : memref<!tpu.dma_semaphore, #tpu.memory_space<semaphore_mem>>) src(%dma_wait3A_117 : memref<128x128xf32, #tpu.memory_space<vmem>>) dst(%dma_wait3A_114 : memref<128x128xf32, #tpu.memory_space<vmem_shared>>)
      tpu.yield
    }) : () -> ()
    %add3A_19 = arith.constant 512 : i32
    %add3A_20 = arith.addi %mul3A_0, %add3A_19 : i32
    "tpu.region"() ({
      %run_scoped3A = tpu.sem_alloc : memref<!tpu.dma_semaphore, #tpu.memory_space<semaphore_mem>>
      %dma_start3A_98 = arith.constant 0 : i32
      %dma_start3A_99 = arith.constant 0 : i32
      %dma_start3A_100 = tpu.memref_slice %arg15[%dma_start3A_98, %dma_start3A_99] : memref<128x128xf32, #tpu.memory_space<vmem>> -> memref<120x128xf32, #tpu.memory_space<vmem>>
      %dma_start3A_101 = arith.constant 0 : i32
      %dma_start3A_102 = tpu.memref_slice %arg12[%add3A_20, %dma_start3A_101] : memref<10112x128xf32, #tpu.memory_space<vmem_shared>> -> memref<120x128xf32, #tpu.memory_space<vmem_shared>>
      %dma_start3A_103 = arith.constant 0 : i32
      %dma_start3A_104 = tpu.memref_slice %arg12[%add3A_20, %dma_start3A_103] : memref<10112x128xf32, #tpu.memory_space<vmem_shared>> -> memref<120x128xf32, #tpu.memory_space<vmem_shared>>
      %dma_start3A_105 = arith.constant 0 : i32
      %dma_start3A_106 = arith.constant 0 : i32
      %dma_start3A_107 = tpu.memref_slice %arg15[%dma_start3A_105, %dma_start3A_106] : memref<128x128xf32, #tpu.memory_space<vmem>> -> memref<120x128xf32, #tpu.memory_space<vmem>>
      tpu.enqueue_dma source(%dma_start3A_107 : memref<120x128xf32, #tpu.memory_space<vmem>>) target(%dma_start3A_104 : memref<120x128xf32, #tpu.memory_space<vmem_shared>>) target_semaphore(%run_scoped3A : memref<!tpu.dma_semaphore, #tpu.memory_space<semaphore_mem>>)
      %dma_wait3A_108 = arith.constant 0 : i32
      %dma_wait3A_109 = arith.constant 0 : i32
      %dma_wait3A_110 = tpu.memref_slice %arg15[%dma_wait3A_108, %dma_wait3A_109] : memref<128x128xf32, #tpu.memory_space<vmem>> -> memref<120x128xf32, #tpu.memory_space<vmem>>
      %dma_wait3A_111 = arith.constant 0 : i32
      %dma_wait3A_112 = tpu.memref_slice %arg12[%add3A_20, %dma_wait3A_111] : memref<10112x128xf32, #tpu.memory_space<vmem_shared>> -> memref<120x128xf32, #tpu.memory_space<vmem_shared>>
      %dma_wait3A_113 = arith.constant 0 : i32
      %dma_wait3A_114 = tpu.memref_slice %arg12[%add3A_20, %dma_wait3A_113] : memref<10112x128xf32, #tpu.memory_space<vmem_shared>> -> memref<120x128xf32, #tpu.memory_space<vmem_shared>>
      %dma_wait3A_115 = arith.constant 0 : i32
      %dma_wait3A_116 = arith.constant 0 : i32
      %dma_wait3A_117 = tpu.memref_slice %arg15[%dma_wait3A_115, %dma_wait3A_116] : memref<128x128xf32, #tpu.memory_space<vmem>> -> memref<120x128xf32, #tpu.memory_space<vmem>>
      tpu.wait_dma2 semaphore(%run_scoped3A : memref<!tpu.dma_semaphore, #tpu.memory_space<semaphore_mem>>) src(%dma_wait3A_117 : memref<120x128xf32, #tpu.memory_space<vmem>>) dst(%dma_wait3A_114 : memref<120x128xf32, #tpu.memory_space<vmem_shared>>)
      tpu.yield
    }) : () -> ()
    %barrier3A = arith.constant 0 : index
    tpu.barrier barrier_id(%barrier3A)
    "tpu.region"() ({
      %run_scoped3A = tpu.sem_alloc : memref<!tpu.dma_semaphore, #tpu.memory_space<semaphore_mem>>
      %dma_start3A_98 = arith.constant 0 : i32
      %dma_start3A_99 = tpu.memref_slice %arg4[%add3A, %dma_start3A_98] : memref<1280x128xi32, #tpu.memory_space<hbm>> -> memref<40x128xi32, #tpu.memory_space<hbm>>
      %dma_start3A_100 = arith.constant 0 : i32
      %dma_start3A_101 = tpu.memref_slice %arg4[%add3A, %dma_start3A_100] : memref<1280x128xi32, #tpu.memory_space<hbm>> -> memref<40x128xi32, #tpu.memory_space<hbm>>
      tpu.enqueue_dma source(%dma_start3A_101 : memref<40x128xi32, #tpu.memory_space<hbm>>) target(%arg13 : memref<40x128xi32, #tpu.memory_space<vmem>>) target_semaphore(%run_scoped3A : memref<!tpu.dma_semaphore, #tpu.memory_space<semaphore_mem>>)
      %dma_wait3A_102 = arith.constant 0 : i32
      %dma_wait3A_103 = tpu.memref_slice %arg4[%add3A, %dma_wait3A_102] : memref<1280x128xi32, #tpu.memory_space<hbm>> -> memref<40x128xi32, #tpu.memory_space<hbm>>
      %dma_wait3A_104 = arith.constant 0 : i32
      %dma_wait3A_105 = tpu.memref_slice %arg4[%add3A, %dma_wait3A_104] : memref<1280x128xi32, #tpu.memory_space<hbm>> -> memref<40x128xi32, #tpu.memory_space<hbm>>
      tpu.wait_dma2 semaphore(%run_scoped3A : memref<!tpu.dma_semaphore, #tpu.memory_space<semaphore_mem>>) src(%dma_wait3A_105 : memref<40x128xi32, #tpu.memory_space<hbm>>) dst(%arg13 : memref<40x128xi32, #tpu.memory_space<vmem>>)
      tpu.yield
    }) : () -> ()
    "tpu.region"() ({
      %run_scoped3A = tpu.sem_alloc : memref<!tpu.dma_semaphore, #tpu.memory_space<semaphore_mem>>
      %dma_start3A_98 = arith.constant 0 : i32
      %dma_start3A_99 = tpu.memref_slice %arg5[%add3A, %dma_start3A_98] : memref<1280x128xi32, #tpu.memory_space<hbm>> -> memref<40x128xi32, #tpu.memory_space<hbm>>
      %dma_start3A_100 = arith.constant 0 : i32
      %dma_start3A_101 = tpu.memref_slice %arg5[%add3A, %dma_start3A_100] : memref<1280x128xi32, #tpu.memory_space<hbm>> -> memref<40x128xi32, #tpu.memory_space<hbm>>
      tpu.enqueue_dma source(%dma_start3A_101 : memref<40x128xi32, #tpu.memory_space<hbm>>) target(%arg14 : memref<40x128xi32, #tpu.memory_space<vmem>>) target_semaphore(%run_scoped3A : memref<!tpu.dma_semaphore, #tpu.memory_space<semaphore_mem>>)
      %dma_wait3A_102 = arith.constant 0 : i32
      %dma_wait3A_103 = tpu.memref_slice %arg5[%add3A, %dma_wait3A_102] : memref<1280x128xi32, #tpu.memory_space<hbm>> -> memref<40x128xi32, #tpu.memory_space<hbm>>
      %dma_wait3A_104 = arith.constant 0 : i32
      %dma_wait3A_105 = tpu.memref_slice %arg5[%add3A, %dma_wait3A_104] : memref<1280x128xi32, #tpu.memory_space<hbm>> -> memref<40x128xi32, #tpu.memory_space<hbm>>
      tpu.wait_dma2 semaphore(%run_scoped3A : memref<!tpu.dma_semaphore, #tpu.memory_space<semaphore_mem>>) src(%dma_wait3A_105 : memref<40x128xi32, #tpu.memory_space<hbm>>) dst(%arg14 : memref<40x128xi32, #tpu.memory_space<vmem>>)
      tpu.yield
    }) : () -> ()
    %dma_start3A = arith.constant 0 : i32
    %dma_start3A_21 = arith.constant 0 : i32
    %dma_start3A_22 = tpu.memref_slice %arg13[%dma_start3A, %dma_start3A_21] : memref<40x128xi32, #tpu.memory_space<vmem>> -> memref<1x128xi32, #tpu.memory_space<vmem>>
    %dma_start3A_23 = tpu.memref_squeeze %dma_start3A_22 : memref<1x128xi32, #tpu.memory_space<vmem>> -> memref<128xi32, #tpu.memory_space<vmem>>
    %dma_start3A_24 = arith.constant 0 : i32
    %dma_start3A_25 = arith.constant 0 : i32
    %dma_start3A_26 = tpu.memref_slice %arg2[%dma_start3A_24, %dma_start3A_25] : memref<10000x128xf32, #tpu.memory_space<hbm>> -> memref<10000x128xf32, #tpu.memory_space<hbm>>
    tpu.enqueue_indirect_dma source(%dma_start3A_26 : memref<10000x128xf32, #tpu.memory_space<hbm>>) target(%arg15 : memref<128x128xf32, #tpu.memory_space<vmem>>) offsets(%dma_start3A_23 : memref<128xi32, #tpu.memory_space<vmem>>) semaphore(%arg17 : memref<!tpu.dma_semaphore, #tpu.memory_space<semaphore_mem>>)
    %scan3A_27 = arith.constant 0 : i32
    %scan3A_28 = arith.constant 0 : i32
    %scan3A_29 = arith.constant 20 : i32
    %scan3A_30 = arith.addi %scan3A_28, %scan3A_29 : i32
    %scan3A_31 = arith.constant 1 : i32
    scf.for %scan3A_98 = %scan3A_28 to %scan3A_30 step %scan3A_31  : i32 {
      %mul3A_99 = arith.constant 2 : i32
      %mul3A_100 = arith.muli %mul3A_99, %scan3A_98 : i32
      %mul3A_101 = arith.constant 2 : i32
      %mul3A_102 = arith.muli %mul3A_101, %scan3A_98 : i32
      %add3A_103 = arith.constant 1 : i32
      %add3A_104 = arith.addi %mul3A_102, %add3A_103 : i32
      %dma_wait3A_105 = arith.constant 0 : i32
      %dma_wait3A_106 = tpu.memref_slice %arg13[%mul3A_100, %dma_wait3A_105] : memref<40x128xi32, #tpu.memory_space<vmem>> -> memref<1x128xi32, #tpu.memory_space<vmem>>
      %dma_wait3A_107 = tpu.memref_squeeze %dma_wait3A_106 : memref<1x128xi32, #tpu.memory_space<vmem>> -> memref<128xi32, #tpu.memory_space<vmem>>
      %dma_wait3A_108 = arith.constant 0 : i32
      %dma_wait3A_109 = arith.constant 0 : i32
      %dma_wait3A_110 = tpu.memref_slice %arg2[%dma_wait3A_108, %dma_wait3A_109] : memref<10000x128xf32, #tpu.memory_space<hbm>> -> memref<10000x128xf32, #tpu.memory_space<hbm>>
      tpu.wait_indirect_dma semaphore(%arg17 : memref<!tpu.dma_semaphore, #tpu.memory_space<semaphore_mem>>) src(%dma_wait3A_110 : memref<10000x128xf32, #tpu.memory_space<hbm>>) dst(%arg15 : memref<128x128xf32, #tpu.memory_space<vmem>>)
      %gt3A = arith.constant 0 : i32
      %gt3A_111 = arith.cmpi sgt, %scan3A_98, %gt3A : i32
      %convert_element_type3A = arith.extui %gt3A_111 : i1 to i32
      %cond3A = arith.constant 0 : i32
      %cond3A_112 = arith.cmpi ne, %convert_element_type3A, %cond3A : i32
      scf.if %cond3A_112 {
        %sub3A = arith.constant 2 : i32
        %sub3A_147 = arith.subi %add3A_104, %sub3A : i32
        %dma_wait3A_148 = arith.constant 0 : i32
        %dma_wait3A_149 = tpu.memref_slice %arg14[%sub3A_147, %dma_wait3A_148] : memref<40x128xi32, #tpu.memory_space<vmem>> -> memref<1x128xi32, #tpu.memory_space<vmem>>
        %dma_wait3A_150 = tpu.memref_squeeze %dma_wait3A_149 : memref<1x128xi32, #tpu.memory_space<vmem>> -> memref<128xi32, #tpu.memory_space<vmem>>
        %dma_wait3A_151 = arith.constant 0 : i32
        %dma_wait3A_152 = arith.constant 0 : i32
        %dma_wait3A_153 = tpu.memref_slice %arg12[%dma_wait3A_151, %dma_wait3A_152] : memref<10112x128xf32, #tpu.memory_space<vmem_shared>> -> memref<10112x128xf32, #tpu.memory_space<vmem_shared>>
        tpu.wait_indirect_dma semaphore(%arg20 : memref<!tpu.dma_semaphore, #tpu.memory_space<semaphore_mem>>) src(%arg16 : memref<128x128xf32, #tpu.memory_space<vmem>>) dst(%dma_wait3A_153 : memref<10112x128xf32, #tpu.memory_space<vmem_shared>>)
      } else {
      }
      %dma_start3A_113 = arith.constant 0 : i32
      %dma_start3A_114 = tpu.memref_slice %arg13[%add3A_104, %dma_start3A_113] : memref<40x128xi32, #tpu.memory_space<vmem>> -> memref<1x128xi32, #tpu.memory_space<vmem>>
      %dma_start3A_115 = tpu.memref_squeeze %dma_start3A_114 : memref<1x128xi32, #tpu.memory_space<vmem>> -> memref<128xi32, #tpu.memory_space<vmem>>
      %dma_start3A_116 = arith.constant 0 : i32
      %dma_start3A_117 = arith.constant 0 : i32
      %dma_start3A_118 = tpu.memref_slice %arg2[%dma_start3A_116, %dma_start3A_117] : memref<10000x128xf32, #tpu.memory_space<hbm>> -> memref<10000x128xf32, #tpu.memory_space<hbm>>
      tpu.enqueue_indirect_dma source(%dma_start3A_118 : memref<10000x128xf32, #tpu.memory_space<hbm>>) target(%arg16 : memref<128x128xf32, #tpu.memory_space<vmem>>) offsets(%dma_start3A_115 : memref<128xi32, #tpu.memory_space<vmem>>) semaphore(%arg18 : memref<!tpu.dma_semaphore, #tpu.memory_space<semaphore_mem>>)
      %dma_start3A_119 = arith.constant 0 : i32
      %dma_start3A_120 = tpu.memref_slice %arg14[%mul3A_100, %dma_start3A_119] : memref<40x128xi32, #tpu.memory_space<vmem>> -> memref<1x128xi32, #tpu.memory_space<vmem>>
      %dma_start3A_121 = tpu.memref_squeeze %dma_start3A_120 : memref<1x128xi32, #tpu.memory_space<vmem>> -> memref<128xi32, #tpu.memory_space<vmem>>
      %dma_start3A_122 = arith.constant 0 : i32
      %dma_start3A_123 = arith.constant 0 : i32
      %dma_start3A_124 = tpu.memref_slice %arg12[%dma_start3A_122, %dma_start3A_123] : memref<10112x128xf32, #tpu.memory_space<vmem_shared>> -> memref<10112x128xf32, #tpu.memory_space<vmem_shared>>
      tpu.enqueue_indirect_dma source(%arg15 : memref<128x128xf32, #tpu.memory_space<vmem>>) target(%dma_start3A_124 : memref<10112x128xf32, #tpu.memory_space<vmem_shared>>) offsets(%dma_start3A_121 : memref<128xi32, #tpu.memory_space<vmem>>) semaphore(%arg19 : memref<!tpu.dma_semaphore, #tpu.memory_space<semaphore_mem>>) {add = true}
      %dma_wait3A_125 = arith.constant 0 : i32
      %dma_wait3A_126 = tpu.memref_slice %arg13[%add3A_104, %dma_wait3A_125] : memref<40x128xi32, #tpu.memory_space<vmem>> -> memref<1x128xi32, #tpu.memory_space<vmem>>
      %dma_wait3A_127 = tpu.memref_squeeze %dma_wait3A_126 : memref<1x128xi32, #tpu.memory_space<vmem>> -> memref<128xi32, #tpu.memory_space<vmem>>
      %dma_wait3A_128 = arith.constant 0 : i32
      %dma_wait3A_129 = arith.constant 0 : i32
      %dma_wait3A_130 = tpu.memref_slice %arg2[%dma_wait3A_128, %dma_wait3A_129] : memref<10000x128xf32, #tpu.memory_space<hbm>> -> memref<10000x128xf32, #tpu.memory_space<hbm>>
      tpu.wait_indirect_dma semaphore(%arg18 : memref<!tpu.dma_semaphore, #tpu.memory_space<semaphore_mem>>) src(%dma_wait3A_130 : memref<10000x128xf32, #tpu.memory_space<hbm>>) dst(%arg16 : memref<128x128xf32, #tpu.memory_space<vmem>>)
      %dma_wait3A_131 = arith.constant 0 : i32
      %dma_wait3A_132 = tpu.memref_slice %arg14[%mul3A_100, %dma_wait3A_131] : memref<40x128xi32, #tpu.memory_space<vmem>> -> memref<1x128xi32, #tpu.memory_space<vmem>>
      %dma_wait3A_133 = tpu.memref_squeeze %dma_wait3A_132 : memref<1x128xi32, #tpu.memory_space<vmem>> -> memref<128xi32, #tpu.memory_space<vmem>>
      %dma_wait3A_134 = arith.constant 0 : i32
      %dma_wait3A_135 = arith.constant 0 : i32
      %dma_wait3A_136 = tpu.memref_slice %arg12[%dma_wait3A_134, %dma_wait3A_135] : memref<10112x128xf32, #tpu.memory_space<vmem_shared>> -> memref<10112x128xf32, #tpu.memory_space<vmem_shared>>
      tpu.wait_indirect_dma semaphore(%arg19 : memref<!tpu.dma_semaphore, #tpu.memory_space<semaphore_mem>>) src(%arg15 : memref<128x128xf32, #tpu.memory_space<vmem>>) dst(%dma_wait3A_136 : memref<10112x128xf32, #tpu.memory_space<vmem_shared>>)
      %lt3A = arith.constant 19 : i32
      %lt3A_137 = arith.cmpi slt, %scan3A_98, %lt3A : i32
      %convert_element_type3A_138 = arith.extui %lt3A_137 : i1 to i32
      %cond3A_139 = arith.constant 0 : i32
      %cond3A_140 = arith.cmpi ne, %convert_element_type3A_138, %cond3A_139 : i32
      scf.if %cond3A_140 {
        %add3A_147 = arith.constant 2 : i32
        %add3A_148 = arith.addi %mul3A_100, %add3A_147 : i32
        %dma_start3A_149 = arith.constant 0 : i32
        %dma_start3A_150 = tpu.memref_slice %arg13[%add3A_148, %dma_start3A_149] : memref<40x128xi32, #tpu.memory_space<vmem>> -> memref<1x128xi32, #tpu.memory_space<vmem>>
        %dma_start3A_151 = tpu.memref_squeeze %dma_start3A_150 : memref<1x128xi32, #tpu.memory_space<vmem>> -> memref<128xi32, #tpu.memory_space<vmem>>
        %dma_start3A_152 = arith.constant 0 : i32
        %dma_start3A_153 = arith.constant 0 : i32
        %dma_start3A_154 = tpu.memref_slice %arg2[%dma_start3A_152, %dma_start3A_153] : memref<10000x128xf32, #tpu.memory_space<hbm>> -> memref<10000x128xf32, #tpu.memory_space<hbm>>
        tpu.enqueue_indirect_dma source(%dma_start3A_154 : memref<10000x128xf32, #tpu.memory_space<hbm>>) target(%arg15 : memref<128x128xf32, #tpu.memory_space<vmem>>) offsets(%dma_start3A_151 : memref<128xi32, #tpu.memory_space<vmem>>) semaphore(%arg17 : memref<!tpu.dma_semaphore, #tpu.memory_space<semaphore_mem>>)
      } else {
      }
      %dma_start3A_141 = arith.constant 0 : i32
      %dma_start3A_142 = tpu.memref_slice %arg14[%add3A_104, %dma_start3A_141] : memref<40x128xi32, #tpu.memory_space<vmem>> -> memref<1x128xi32, #tpu.memory_space<vmem>>
      %dma_start3A_143 = tpu.memref_squeeze %dma_start3A_142 : memref<1x128xi32, #tpu.memory_space<vmem>> -> memref<128xi32, #tpu.memory_space<vmem>>
      %dma_start3A_144 = arith.constant 0 : i32
      %dma_start3A_145 = arith.constant 0 : i32
      %dma_start3A_146 = tpu.memref_slice %arg12[%dma_start3A_144, %dma_start3A_145] : memref<10112x128xf32, #tpu.memory_space<vmem_shared>> -> memref<10112x128xf32, #tpu.memory_space<vmem_shared>>
      tpu.enqueue_indirect_dma source(%arg16 : memref<128x128xf32, #tpu.memory_space<vmem>>) target(%dma_start3A_146 : memref<10112x128xf32, #tpu.memory_space<vmem_shared>>) offsets(%dma_start3A_143 : memref<128xi32, #tpu.memory_space<vmem>>) semaphore(%arg20 : memref<!tpu.dma_semaphore, #tpu.memory_space<semaphore_mem>>) {add = true}
    }
    %scan3A_32 = arith.constant 20 : i32
    %dma_wait3A = arith.constant 39 : i32
    %dma_wait3A_33 = arith.constant 0 : i32
    %dma_wait3A_34 = tpu.memref_slice %arg14[%dma_wait3A, %dma_wait3A_33] : memref<40x128xi32, #tpu.memory_space<vmem>> -> memref<1x128xi32, #tpu.memory_space<vmem>>
    %dma_wait3A_35 = tpu.memref_squeeze %dma_wait3A_34 : memref<1x128xi32, #tpu.memory_space<vmem>> -> memref<128xi32, #tpu.memory_space<vmem>>
    %dma_wait3A_36 = arith.constant 0 : i32
    %dma_wait3A_37 = arith.constant 0 : i32
    %dma_wait3A_38 = tpu.memref_slice %arg12[%dma_wait3A_36, %dma_wait3A_37] : memref<10112x128xf32, #tpu.memory_space<vmem_shared>> -> memref<10112x128xf32, #tpu.memory_space<vmem_shared>>
    tpu.wait_indirect_dma semaphore(%arg20 : memref<!tpu.dma_semaphore, #tpu.memory_space<semaphore_mem>>) src(%arg16 : memref<128x128xf32, #tpu.memory_space<vmem>>) dst(%dma_wait3A_38 : memref<10112x128xf32, #tpu.memory_space<vmem_shared>>)
    %barrier3A_39 = arith.constant 0 : index
    tpu.barrier barrier_id(%barrier3A_39)
    "tpu.region"() ({
      %run_scoped3A = tpu.sem_alloc : memref<!tpu.dma_semaphore, #tpu.memory_space<semaphore_mem>>
      %dma_start3A_98 = arith.constant 0 : i32
      %dma_start3A_99 = tpu.memref_slice %arg11[%arg0, %mul3A_0, %dma_start3A_98] : memref<2x10112x128xf32, #tpu.memory_space<hbm>> -> memref<1x632x128xf32, #tpu.memory_space<hbm>>
      %dma_start3A_100 = tpu.memref_squeeze %dma_start3A_99 : memref<1x632x128xf32, #tpu.memory_space<hbm>> -> memref<632x128xf32, #tpu.memory_space<hbm>>
      %dma_start3A_101 = arith.constant 0 : i32
      %dma_start3A_102 = tpu.memref_slice %arg12[%mul3A_0, %dma_start3A_101] : memref<10112x128xf32, #tpu.memory_space<vmem_shared>> -> memref<632x128xf32, #tpu.memory_space<vmem_shared>>
      tpu.enqueue_dma source(%dma_start3A_102 : memref<632x128xf32, #tpu.memory_space<vmem_shared>>) target(%dma_start3A_100 : memref<632x128xf32, #tpu.memory_space<hbm>>) target_semaphore(%run_scoped3A : memref<!tpu.dma_semaphore, #tpu.memory_space<semaphore_mem>>)
      %dma_wait3A_103 = arith.constant 0 : i32
      %dma_wait3A_104 = tpu.memref_slice %arg11[%arg0, %mul3A_0, %dma_wait3A_103] : memref<2x10112x128xf32, #tpu.memory_space<hbm>> -> memref<1x632x128xf32, #tpu.memory_space<hbm>>
      %dma_wait3A_105 = tpu.memref_squeeze %dma_wait3A_104 : memref<1x632x128xf32, #tpu.memory_space<hbm>> -> memref<632x128xf32, #tpu.memory_space<hbm>>
      %dma_wait3A_106 = arith.constant 0 : i32
      %dma_wait3A_107 = tpu.memref_slice %arg12[%mul3A_0, %dma_wait3A_106] : memref<10112x128xf32, #tpu.memory_space<vmem_shared>> -> memref<632x128xf32, #tpu.memory_space<vmem_shared>>
      tpu.wait_dma2 semaphore(%run_scoped3A : memref<!tpu.dma_semaphore, #tpu.memory_space<semaphore_mem>>) src(%dma_wait3A_107 : memref<632x128xf32, #tpu.memory_space<vmem_shared>>) dst(%dma_wait3A_105 : memref<632x128xf32, #tpu.memory_space<hbm>>)
      tpu.yield
    }) : () -> ()
    %scan3A_40 = arith.constant 0 : i32
    %scan3A_41 = arith.constant 0 : i32
    %scan3A_42 = arith.constant 128 : i32
    %scan3A_43 = arith.addi %scan3A_41, %scan3A_42 : i32
    %scan3A_44 = arith.constant 1 : i32
    scf.for %scan3A_98 = %scan3A_41 to %scan3A_43 step %scan3A_44  : i32 {
      %swap3A = arith.index_cast %scan3A_98 : i32 to index
      %swap3A_99 = arith.constant 0 : index
      %swap3A_100 = tpu.vector_load %arg15[%swap3A, %swap3A_99] {strides = array<i32>} : memref<128x128xf32, #tpu.memory_space<vmem>>, vector<1x16xf32>,
      %swap3A_101 = vector.shape_cast %swap3A_100 : vector<1x16xf32> to vector<16xf32>
      %swap3A_102 = vector.shape_cast %broadcast_in_dim3A_5 : vector<16xf32> to vector<1x16xf32>
      tpu.vector_store %arg15[%swap3A, %swap3A_99], %swap3A_102 {strides = array<i32>} : memref<128x128xf32, #tpu.memory_space<vmem>>, vector<1x16xf32>,
      %swap3A_103 = arith.index_cast %scan3A_98 : i32 to index
      %swap3A_104 = arith.constant 16 : index
      %swap3A_105 = tpu.vector_load %arg15[%swap3A_103, %swap3A_104] {strides = array<i32>} : memref<128x128xf32, #tpu.memory_space<vmem>>, vector<1x16xf32>,
      %swap3A_106 = vector.shape_cast %swap3A_105 : vector<1x16xf32> to vector<16xf32>
      %swap3A_107 = vector.shape_cast %broadcast_in_dim3A_5 : vector<16xf32> to vector<1x16xf32>
      tpu.vector_store %arg15[%swap3A_103, %swap3A_104], %swap3A_107 {strides = array<i32>} : memref<128x128xf32, #tpu.memory_space<vmem>>, vector<1x16xf32>,
      %swap3A_108 = arith.index_cast %scan3A_98 : i32 to index
      %swap3A_109 = arith.constant 32 : index
      %swap3A_110 = tpu.vector_load %arg15[%swap3A_108, %swap3A_109] {strides = array<i32>} : memref<128x128xf32, #tpu.memory_space<vmem>>, vector<1x16xf32>,
      %swap3A_111 = vector.shape_cast %swap3A_110 : vector<1x16xf32> to vector<16xf32>
      %swap3A_112 = vector.shape_cast %broadcast_in_dim3A_5 : vector<16xf32> to vector<1x16xf32>
      tpu.vector_store %arg15[%swap3A_108, %swap3A_109], %swap3A_112 {strides = array<i32>} : memref<128x128xf32, #tpu.memory_space<vmem>>, vector<1x16xf32>,
      %swap3A_113 = arith.index_cast %scan3A_98 : i32 to index
      %swap3A_114 = arith.constant 48 : index
      %swap3A_115 = tpu.vector_load %arg15[%swap3A_113, %swap3A_114] {strides = array<i32>} : memref<128x128xf32, #tpu.memory_space<vmem>>, vector<1x16xf32>,
      %swap3A_116 = vector.shape_cast %swap3A_115 : vector<1x16xf32> to vector<16xf32>
      %swap3A_117 = vector.shape_cast %broadcast_in_dim3A_5 : vector<16xf32> to vector<1x16xf32>
      tpu.vector_store %arg15[%swap3A_113, %swap3A_114], %swap3A_117 {strides = array<i32>} : memref<128x128xf32, #tpu.memory_space<vmem>>, vector<1x16xf32>,
      %swap3A_118 = arith.index_cast %scan3A_98 : i32 to index
      %swap3A_119 = arith.constant 64 : index
      %swap3A_120 = tpu.vector_load %arg15[%swap3A_118, %swap3A_119] {strides = array<i32>} : memref<128x128xf32, #tpu.memory_space<vmem>>, vector<1x16xf32>,
      %swap3A_121 = vector.shape_cast %swap3A_120 : vector<1x16xf32> to vector<16xf32>
      %swap3A_122 = vector.shape_cast %broadcast_in_dim3A_5 : vector<16xf32> to vector<1x16xf32>
      tpu.vector_store %arg15[%swap3A_118, %swap3A_119], %swap3A_122 {strides = array<i32>} : memref<128x128xf32, #tpu.memory_space<vmem>>, vector<1x16xf32>,
      %swap3A_123 = arith.index_cast %scan3A_98 : i32 to index
      %swap3A_124 = arith.constant 80 : index
      %swap3A_125 = tpu.vector_load %arg15[%swap3A_123, %swap3A_124] {strides = array<i32>} : memref<128x128xf32, #tpu.memory_space<vmem>>, vector<1x16xf32>,
      %swap3A_126 = vector.shape_cast %swap3A_125 : vector<1x16xf32> to vector<16xf32>
      %swap3A_127 = vector.shape_cast %broadcast_in_dim3A_5 : vector<16xf32> to vector<1x16xf32>
      tpu.vector_store %arg15[%swap3A_123, %swap3A_124], %swap3A_127 {strides = array<i32>} : memref<128x128xf32, #tpu.memory_space<vmem>>, vector<1x16xf32>,
      %swap3A_128 = arith.index_cast %scan3A_98 : i32 to index
      %swap3A_129 = arith.constant 96 : index
      %swap3A_130 = tpu.vector_load %arg15[%swap3A_128, %swap3A_129] {strides = array<i32>} : memref<128x128xf32, #tpu.memory_space<vmem>>, vector<1x16xf32>,
      %swap3A_131 = vector.shape_cast %swap3A_130 : vector<1x16xf32> to vector<16xf32>
      %swap3A_132 = vector.shape_cast %broadcast_in_dim3A_5 : vector<16xf32> to vector<1x16xf32>
      tpu.vector_store %arg15[%swap3A_128, %swap3A_129], %swap3A_132 {strides = array<i32>} : memref<128x128xf32, #tpu.memory_space<vmem>>, vector<1x16xf32>,
      %swap3A_133 = arith.index_cast %scan3A_98 : i32 to index
      %swap3A_134 = arith.constant 112 : index
      %swap3A_135 = tpu.vector_load %arg15[%swap3A_133, %swap3A_134] {strides = array<i32>} : memref<128x128xf32, #tpu.memory_space<vmem>>, vector<1x16xf32>,
      %swap3A_136 = vector.shape_cast %swap3A_135 : vector<1x16xf32> to vector<16xf32>
      %swap3A_137 = vector.shape_cast %broadcast_in_dim3A_5 : vector<16xf32> to vector<1x16xf32>
      tpu.vector_store %arg15[%swap3A_133, %swap3A_134], %swap3A_137 {strides = array<i32>} : memref<128x128xf32, #tpu.memory_space<vmem>>, vector<1x16xf32>,
    }
    %scan3A_45 = arith.constant 128 : i32
    %add3A_46 = arith.constant 0 : i32
    %add3A_47 = arith.addi %mul3A_0, %add3A_46 : i32
    "tpu.region"() ({
      %run_scoped3A = tpu.sem_alloc : memref<!tpu.dma_semaphore, #tpu.memory_space<semaphore_mem>>
      %dma_start3A_98 = arith.constant 0 : i32
      %dma_start3A_99 = arith.constant 0 : i32
      %dma_start3A_100 = tpu.memref_slice %arg15[%dma_start3A_98, %dma_start3A_99] : memref<128x128xf32, #tpu.memory_space<vmem>> -> memref<128x128xf32, #tpu.memory_space<vmem>>
      %dma_start3A_101 = arith.constant 0 : i32
      %dma_start3A_102 = tpu.memref_slice %arg12[%add3A_47, %dma_start3A_101] : memref<10112x128xf32, #tpu.memory_space<vmem_shared>> -> memref<128x128xf32, #tpu.memory_space<vmem_shared>>
      %dma_start3A_103 = arith.constant 0 : i32
      %dma_start3A_104 = tpu.memref_slice %arg12[%add3A_47, %dma_start3A_103] : memref<10112x128xf32, #tpu.memory_space<vmem_shared>> -> memref<128x128xf32, #tpu.memory_space<vmem_shared>>
      %dma_start3A_105 = arith.constant 0 : i32
      %dma_start3A_106 = arith.constant 0 : i32
      %dma_start3A_107 = tpu.memref_slice %arg15[%dma_start3A_105, %dma_start3A_106] : memref<128x128xf32, #tpu.memory_space<vmem>> -> memref<128x128xf32, #tpu.memory_space<vmem>>
      tpu.enqueue_dma source(%dma_start3A_107 : memref<128x128xf32, #tpu.memory_space<vmem>>) target(%dma_start3A_104 : memref<128x128xf32, #tpu.memory_space<vmem_shared>>) target_semaphore(%run_scoped3A : memref<!tpu.dma_semaphore, #tpu.memory_space<semaphore_mem>>)
      %dma_wait3A_108 = arith.constant 0 : i32
      %dma_wait3A_109 = arith.constant 0 : i32
      %dma_wait3A_110 = tpu.memref_slice %arg15[%dma_wait3A_108, %dma_wait3A_109] : memref<128x128xf32, #tpu.memory_space<vmem>> -> memref<128x128xf32, #tpu.memory_space<vmem>>
      %dma_wait3A_111 = arith.constant 0 : i32
      %dma_wait3A_112 = tpu.memref_slice %arg12[%add3A_47, %dma_wait3A_111] : memref<10112x128xf32, #tpu.memory_space<vmem_shared>> -> memref<128x128xf32, #tpu.memory_space<vmem_shared>>
      %dma_wait3A_113 = arith.constant 0 : i32
      %dma_wait3A_114 = tpu.memref_slice %arg12[%add3A_47, %dma_wait3A_113] : memref<10112x128xf32, #tpu.memory_space<vmem_shared>> -> memref<128x128xf32, #tpu.memory_space<vmem_shared>>
      %dma_wait3A_115 = arith.constant 0 : i32
      %dma_wait3A_116 = arith.constant 0 : i32
      %dma_wait3A_117 = tpu.memref_slice %arg15[%dma_wait3A_115, %dma_wait3A_116] : memref<128x128xf32, #tpu.memory_space<vmem>> -> memref<128x128xf32, #tpu.memory_space<vmem>>
      tpu.wait_dma2 semaphore(%run_scoped3A : memref<!tpu.dma_semaphore, #tpu.memory_space<semaphore_mem>>) src(%dma_wait3A_117 : memref<128x128xf32, #tpu.memory_space<vmem>>) dst(%dma_wait3A_114 : memref<128x128xf32, #tpu.memory_space<vmem_shared>>)
      tpu.yield
    }) : () -> ()
    %add3A_48 = arith.constant 128 : i32
    %add3A_49 = arith.addi %mul3A_0, %add3A_48 : i32
    "tpu.region"() ({
      %run_scoped3A = tpu.sem_alloc : memref<!tpu.dma_semaphore, #tpu.memory_space<semaphore_mem>>
      %dma_start3A_98 = arith.constant 0 : i32
      %dma_start3A_99 = arith.constant 0 : i32
      %dma_start3A_100 = tpu.memref_slice %arg15[%dma_start3A_98, %dma_start3A_99] : memref<128x128xf32, #tpu.memory_space<vmem>> -> memref<128x128xf32, #tpu.memory_space<vmem>>
      %dma_start3A_101 = arith.constant 0 : i32
      %dma_start3A_102 = tpu.memref_slice %arg12[%add3A_49, %dma_start3A_101] : memref<10112x128xf32, #tpu.memory_space<vmem_shared>> -> memref<128x128xf32, #tpu.memory_space<vmem_shared>>
      %dma_start3A_103 = arith.constant 0 : i32
      %dma_start3A_104 = tpu.memref_slice %arg12[%add3A_49, %dma_start3A_103] : memref<10112x128xf32, #tpu.memory_space<vmem_shared>> -> memref<128x128xf32, #tpu.memory_space<vmem_shared>>
      %dma_start3A_105 = arith.constant 0 : i32
      %dma_start3A_106 = arith.constant 0 : i32
      %dma_start3A_107 = tpu.memref_slice %arg15[%dma_start3A_105, %dma_start3A_106] : memref<128x128xf32, #tpu.memory_space<vmem>> -> memref<128x128xf32, #tpu.memory_space<vmem>>
      tpu.enqueue_dma source(%dma_start3A_107 : memref<128x128xf32, #tpu.memory_space<vmem>>) target(%dma_start3A_104 : memref<128x128xf32, #tpu.memory_space<vmem_shared>>) target_semaphore(%run_scoped3A : memref<!tpu.dma_semaphore, #tpu.memory_space<semaphore_mem>>)
      %dma_wait3A_108 = arith.constant 0 : i32
      %dma_wait3A_109 = arith.constant 0 : i32
      %dma_wait3A_110 = tpu.memref_slice %arg15[%dma_wait3A_108, %dma_wait3A_109] : memref<128x128xf32, #tpu.memory_space<vmem>> -> memref<128x128xf32, #tpu.memory_space<vmem>>
      %dma_wait3A_111 = arith.constant 0 : i32
      %dma_wait3A_112 = tpu.memref_slice %arg12[%add3A_49, %dma_wait3A_111] : memref<10112x128xf32, #tpu.memory_space<vmem_shared>> -> memref<128x128xf32, #tpu.memory_space<vmem_shared>>
      %dma_wait3A_113 = arith.constant 0 : i32
      %dma_wait3A_114 = tpu.memref_slice %arg12[%add3A_49, %dma_wait3A_113] : memref<10112x128xf32, #tpu.memory_space<vmem_shared>> -> memref<128x128xf32, #tpu.memory_space<vmem_shared>>
      %dma_wait3A_115 = arith.constant 0 : i32
      %dma_wait3A_116 = arith.constant 0 : i32
      %dma_wait3A_117 = tpu.memref_slice %arg15[%dma_wait3A_115, %dma_wait3A_116] : memref<128x128xf32, #tpu.memory_space<vmem>> -> memref<128x128xf32, #tpu.memory_space<vmem>>
      tpu.wait_dma2 semaphore(%run_scoped3A : memref<!tpu.dma_semaphore, #tpu.memory_space<semaphore_mem>>) src(%dma_wait3A_117 : memref<128x128xf32, #tpu.memory_space<vmem>>) dst(%dma_wait3A_114 : memref<128x128xf32, #tpu.memory_space<vmem_shared>>)
      tpu.yield
    }) : () -> ()
    %add3A_50 = arith.constant 256 : i32
    %add3A_51 = arith.addi %mul3A_0, %add3A_50 : i32
    "tpu.region"() ({
      %run_scoped3A = tpu.sem_alloc : memref<!tpu.dma_semaphore, #tpu.memory_space<semaphore_mem>>
      %dma_start3A_98 = arith.constant 0 : i32
      %dma_start3A_99 = arith.constant 0 : i32
      %dma_start3A_100 = tpu.memref_slice %arg15[%dma_start3A_98, %dma_start3A_99] : memref<128x128xf32, #tpu.memory_space<vmem>> -> memref<128x128xf32, #tpu.memory_space<vmem>>
      %dma_start3A_101 = arith.constant 0 : i32
      %dma_start3A_102 = tpu.memref_slice %arg12[%add3A_51, %dma_start3A_101] : memref<10112x128xf32, #tpu.memory_space<vmem_shared>> -> memref<128x128xf32, #tpu.memory_space<vmem_shared>>
      %dma_start3A_103 = arith.constant 0 : i32
      %dma_start3A_104 = tpu.memref_slice %arg12[%add3A_51, %dma_start3A_103] : memref<10112x128xf32, #tpu.memory_space<vmem_shared>> -> memref<128x128xf32, #tpu.memory_space<vmem_shared>>
      %dma_start3A_105 = arith.constant 0 : i32
      %dma_start3A_106 = arith.constant 0 : i32
      %dma_start3A_107 = tpu.memref_slice %arg15[%dma_start3A_105, %dma_start3A_106] : memref<128x128xf32, #tpu.memory_space<vmem>> -> memref<128x128xf32, #tpu.memory_space<vmem>>
      tpu.enqueue_dma source(%dma_start3A_107 : memref<128x128xf32, #tpu.memory_space<vmem>>) target(%dma_start3A_104 : memref<128x128xf32, #tpu.memory_space<vmem_shared>>) target_semaphore(%run_scoped3A : memref<!tpu.dma_semaphore, #tpu.memory_space<semaphore_mem>>)
      %dma_wait3A_108 = arith.constant 0 : i32
      %dma_wait3A_109 = arith.constant 0 : i32
      %dma_wait3A_110 = tpu.memref_slice %arg15[%dma_wait3A_108, %dma_wait3A_109] : memref<128x128xf32, #tpu.memory_space<vmem>> -> memref<128x128xf32, #tpu.memory_space<vmem>>
      %dma_wait3A_111 = arith.constant 0 : i32
      %dma_wait3A_112 = tpu.memref_slice %arg12[%add3A_51, %dma_wait3A_111] : memref<10112x128xf32, #tpu.memory_space<vmem_shared>> -> memref<128x128xf32, #tpu.memory_space<vmem_shared>>
      %dma_wait3A_113 = arith.constant 0 : i32
      %dma_wait3A_114 = tpu.memref_slice %arg12[%add3A_51, %dma_wait3A_113] : memref<10112x128xf32, #tpu.memory_space<vmem_shared>> -> memref<128x128xf32, #tpu.memory_space<vmem_shared>>
      %dma_wait3A_115 = arith.constant 0 : i32
      %dma_wait3A_116 = arith.constant 0 : i32
      %dma_wait3A_117 = tpu.memref_slice %arg15[%dma_wait3A_115, %dma_wait3A_116] : memref<128x128xf32, #tpu.memory_space<vmem>> -> memref<128x128xf32, #tpu.memory_space<vmem>>
      tpu.wait_dma2 semaphore(%run_scoped3A : memref<!tpu.dma_semaphore, #tpu.memory_space<semaphore_mem>>) src(%dma_wait3A_117 : memref<128x128xf32, #tpu.memory_space<vmem>>) dst(%dma_wait3A_114 : memref<128x128xf32, #tpu.memory_space<vmem_shared>>)
      tpu.yield
    }) : () -> ()
    %add3A_52 = arith.constant 384 : i32
    %add3A_53 = arith.addi %mul3A_0, %add3A_52 : i32
    "tpu.region"() ({
      %run_scoped3A = tpu.sem_alloc : memref<!tpu.dma_semaphore, #tpu.memory_space<semaphore_mem>>
      %dma_start3A_98 = arith.constant 0 : i32
      %dma_start3A_99 = arith.constant 0 : i32
      %dma_start3A_100 = tpu.memref_slice %arg15[%dma_start3A_98, %dma_start3A_99] : memref<128x128xf32, #tpu.memory_space<vmem>> -> memref<128x128xf32, #tpu.memory_space<vmem>>
      %dma_start3A_101 = arith.constant 0 : i32
      %dma_start3A_102 = tpu.memref_slice %arg12[%add3A_53, %dma_start3A_101] : memref<10112x128xf32, #tpu.memory_space<vmem_shared>> -> memref<128x128xf32, #tpu.memory_space<vmem_shared>>
      %dma_start3A_103 = arith.constant 0 : i32
      %dma_start3A_104 = tpu.memref_slice %arg12[%add3A_53, %dma_start3A_103] : memref<10112x128xf32, #tpu.memory_space<vmem_shared>> -> memref<128x128xf32, #tpu.memory_space<vmem_shared>>
      %dma_start3A_105 = arith.constant 0 : i32
      %dma_start3A_106 = arith.constant 0 : i32
      %dma_start3A_107 = tpu.memref_slice %arg15[%dma_start3A_105, %dma_start3A_106] : memref<128x128xf32, #tpu.memory_space<vmem>> -> memref<128x128xf32, #tpu.memory_space<vmem>>
      tpu.enqueue_dma source(%dma_start3A_107 : memref<128x128xf32, #tpu.memory_space<vmem>>) target(%dma_start3A_104 : memref<128x128xf32, #tpu.memory_space<vmem_shared>>) target_semaphore(%run_scoped3A : memref<!tpu.dma_semaphore, #tpu.memory_space<semaphore_mem>>)
      %dma_wait3A_108 = arith.constant 0 : i32
      %dma_wait3A_109 = arith.constant 0 : i32
      %dma_wait3A_110 = tpu.memref_slice %arg15[%dma_wait3A_108, %dma_wait3A_109] : memref<128x128xf32, #tpu.memory_space<vmem>> -> memref<128x128xf32, #tpu.memory_space<vmem>>
      %dma_wait3A_111 = arith.constant 0 : i32
      %dma_wait3A_112 = tpu.memref_slice %arg12[%add3A_53, %dma_wait3A_111] : memref<10112x128xf32, #tpu.memory_space<vmem_shared>> -> memref<128x128xf32, #tpu.memory_space<vmem_shared>>
      %dma_wait3A_113 = arith.constant 0 : i32
      %dma_wait3A_114 = tpu.memref_slice %arg12[%add3A_53, %dma_wait3A_113] : memref<10112x128xf32, #tpu.memory_space<vmem_shared>> -> memref<128x128xf32, #tpu.memory_space<vmem_shared>>
      %dma_wait3A_115 = arith.constant 0 : i32
      %dma_wait3A_116 = arith.constant 0 : i32
      %dma_wait3A_117 = tpu.memref_slice %arg15[%dma_wait3A_115, %dma_wait3A_116] : memref<128x128xf32, #tpu.memory_space<vmem>> -> memref<128x128xf32, #tpu.memory_space<vmem>>
      tpu.wait_dma2 semaphore(%run_scoped3A : memref<!tpu.dma_semaphore, #tpu.memory_space<semaphore_mem>>) src(%dma_wait3A_117 : memref<128x128xf32, #tpu.memory_space<vmem>>) dst(%dma_wait3A_114 : memref<128x128xf32, #tpu.memory_space<vmem_shared>>)
      tpu.yield
    }) : () -> ()
    %add3A_54 = arith.constant 512 : i32
    %add3A_55 = arith.addi %mul3A_0, %add3A_54 : i32
    "tpu.region"() ({
      %run_scoped3A = tpu.sem_alloc : memref<!tpu.dma_semaphore, #tpu.memory_space<semaphore_mem>>
      %dma_start3A_98 = arith.constant 0 : i32
      %dma_start3A_99 = arith.constant 0 : i32
      %dma_start3A_100 = tpu.memref_slice %arg15[%dma_start3A_98, %dma_start3A_99] : memref<128x128xf32, #tpu.memory_space<vmem>> -> memref<120x128xf32, #tpu.memory_space<vmem>>
      %dma_start3A_101 = arith.constant 0 : i32
      %dma_start3A_102 = tpu.memref_slice %arg12[%add3A_55, %dma_start3A_101] : memref<10112x128xf32, #tpu.memory_space<vmem_shared>> -> memref<120x128xf32, #tpu.memory_space<vmem_shared>>
      %dma_start3A_103 = arith.constant 0 : i32
      %dma_start3A_104 = tpu.memref_slice %arg12[%add3A_55, %dma_start3A_103] : memref<10112x128xf32, #tpu.memory_space<vmem_shared>> -> memref<120x128xf32, #tpu.memory_space<vmem_shared>>
      %dma_start3A_105 = arith.constant 0 : i32
      %dma_start3A_106 = arith.constant 0 : i32
      %dma_start3A_107 = tpu.memref_slice %arg15[%dma_start3A_105, %dma_start3A_106] : memref<128x128xf32, #tpu.memory_space<vmem>> -> memref<120x128xf32, #tpu.memory_space<vmem>>
      tpu.enqueue_dma source(%dma_start3A_107 : memref<120x128xf32, #tpu.memory_space<vmem>>) target(%dma_start3A_104 : memref<120x128xf32, #tpu.memory_space<vmem_shared>>) target_semaphore(%run_scoped3A : memref<!tpu.dma_semaphore, #tpu.memory_space<semaphore_mem>>)
      %dma_wait3A_108 = arith.constant 0 : i32
      %dma_wait3A_109 = arith.constant 0 : i32
      %dma_wait3A_110 = tpu.memref_slice %arg15[%dma_wait3A_108, %dma_wait3A_109] : memref<128x128xf32, #tpu.memory_space<vmem>> -> memref<120x128xf32, #tpu.memory_space<vmem>>
      %dma_wait3A_111 = arith.constant 0 : i32
      %dma_wait3A_112 = tpu.memref_slice %arg12[%add3A_55, %dma_wait3A_111] : memref<10112x128xf32, #tpu.memory_space<vmem_shared>> -> memref<120x128xf32, #tpu.memory_space<vmem_shared>>
      %dma_wait3A_113 = arith.constant 0 : i32
      %dma_wait3A_114 = tpu.memref_slice %arg12[%add3A_55, %dma_wait3A_113] : memref<10112x128xf32, #tpu.memory_space<vmem_shared>> -> memref<120x128xf32, #tpu.memory_space<vmem_shared>>
      %dma_wait3A_115 = arith.constant 0 : i32
      %dma_wait3A_116 = arith.constant 0 : i32
      %dma_wait3A_117 = tpu.memref_slice %arg15[%dma_wait3A_115, %dma_wait3A_116] : memref<128x128xf32, #tpu.memory_space<vmem>> -> memref<120x128xf32, #tpu.memory_space<vmem>>
      tpu.wait_dma2 semaphore(%run_scoped3A : memref<!tpu.dma_semaphore, #tpu.memory_space<semaphore_mem>>) src(%dma_wait3A_117 : memref<120x128xf32, #tpu.memory_space<vmem>>) dst(%dma_wait3A_114 : memref<120x128xf32, #tpu.memory_space<vmem_shared>>)
      tpu.yield
    }) : () -> ()
    %barrier3A_56 = arith.constant 0 : index
    tpu.barrier barrier_id(%barrier3A_56)
    "tpu.region"() ({
      %run_scoped3A = tpu.sem_alloc : memref<!tpu.dma_semaphore, #tpu.memory_space<semaphore_mem>>
      %dma_start3A_98 = arith.constant 0 : i32
      %dma_start3A_99 = tpu.memref_slice %arg6[%add3A, %dma_start3A_98] : memref<1280x128xi32, #tpu.memory_space<hbm>> -> memref<40x128xi32, #tpu.memory_space<hbm>>
      %dma_start3A_100 = arith.constant 0 : i32
      %dma_start3A_101 = tpu.memref_slice %arg6[%add3A, %dma_start3A_100] : memref<1280x128xi32, #tpu.memory_space<hbm>> -> memref<40x128xi32, #tpu.memory_space<hbm>>
      tpu.enqueue_dma source(%dma_start3A_101 : memref<40x128xi32, #tpu.memory_space<hbm>>) target(%arg13 : memref<40x128xi32, #tpu.memory_space<vmem>>) target_semaphore(%run_scoped3A : memref<!tpu.dma_semaphore, #tpu.memory_space<semaphore_mem>>)
      %dma_wait3A_102 = arith.constant 0 : i32
      %dma_wait3A_103 = tpu.memref_slice %arg6[%add3A, %dma_wait3A_102] : memref<1280x128xi32, #tpu.memory_space<hbm>> -> memref<40x128xi32, #tpu.memory_space<hbm>>
      %dma_wait3A_104 = arith.constant 0 : i32
      %dma_wait3A_105 = tpu.memref_slice %arg6[%add3A, %dma_wait3A_104] : memref<1280x128xi32, #tpu.memory_space<hbm>> -> memref<40x128xi32, #tpu.memory_space<hbm>>
      tpu.wait_dma2 semaphore(%run_scoped3A : memref<!tpu.dma_semaphore, #tpu.memory_space<semaphore_mem>>) src(%dma_wait3A_105 : memref<40x128xi32, #tpu.memory_space<hbm>>) dst(%arg13 : memref<40x128xi32, #tpu.memory_space<vmem>>)
      tpu.yield
    }) : () -> ()
    "tpu.region"() ({
      %run_scoped3A = tpu.sem_alloc : memref<!tpu.dma_semaphore, #tpu.memory_space<semaphore_mem>>
      %dma_start3A_98 = arith.constant 0 : i32
      %dma_start3A_99 = tpu.memref_slice %arg7[%add3A, %dma_start3A_98] : memref<1280x128xi32, #tpu.memory_space<hbm>> -> memref<40x128xi32, #tpu.memory_space<hbm>>
      %dma_start3A_100 = arith.constant 0 : i32
      %dma_start3A_101 = tpu.memref_slice %arg7[%add3A, %dma_start3A_100] : memref<1280x128xi32, #tpu.memory_space<hbm>> -> memref<40x128xi32, #tpu.memory_space<hbm>>
      tpu.enqueue_dma source(%dma_start3A_101 : memref<40x128xi32, #tpu.memory_space<hbm>>) target(%arg14 : memref<40x128xi32, #tpu.memory_space<vmem>>) target_semaphore(%run_scoped3A : memref<!tpu.dma_semaphore, #tpu.memory_space<semaphore_mem>>)
      %dma_wait3A_102 = arith.constant 0 : i32
      %dma_wait3A_103 = tpu.memref_slice %arg7[%add3A, %dma_wait3A_102] : memref<1280x128xi32, #tpu.memory_space<hbm>> -> memref<40x128xi32, #tpu.memory_space<hbm>>
      %dma_wait3A_104 = arith.constant 0 : i32
      %dma_wait3A_105 = tpu.memref_slice %arg7[%add3A, %dma_wait3A_104] : memref<1280x128xi32, #tpu.memory_space<hbm>> -> memref<40x128xi32, #tpu.memory_space<hbm>>
      tpu.wait_dma2 semaphore(%run_scoped3A : memref<!tpu.dma_semaphore, #tpu.memory_space<semaphore_mem>>) src(%dma_wait3A_105 : memref<40x128xi32, #tpu.memory_space<hbm>>) dst(%arg14 : memref<40x128xi32, #tpu.memory_space<vmem>>)
      tpu.yield
    }) : () -> ()
    %dma_start3A_57 = arith.constant 0 : i32
    %dma_start3A_58 = arith.constant 0 : i32
    %dma_start3A_59 = tpu.memref_slice %arg13[%dma_start3A_57, %dma_start3A_58] : memref<40x128xi32, #tpu.memory_space<vmem>> -> memref<1x128xi32, #tpu.memory_space<vmem>>
    %dma_start3A_60 = tpu.memref_squeeze %dma_start3A_59 : memref<1x128xi32, #tpu.memory_space<vmem>> -> memref<128xi32, #tpu.memory_space<vmem>>
    %dma_start3A_61 = arith.constant 0 : i32
    %dma_start3A_62 = arith.constant 0 : i32
    %dma_start3A_63 = tpu.memref_slice %arg3[%dma_start3A_61, %dma_start3A_62] : memref<10000x128xf32, #tpu.memory_space<hbm>> -> memref<10000x128xf32, #tpu.memory_space<hbm>>
    tpu.enqueue_indirect_dma source(%dma_start3A_63 : memref<10000x128xf32, #tpu.memory_space<hbm>>) target(%arg15 : memref<128x128xf32, #tpu.memory_space<vmem>>) offsets(%dma_start3A_60 : memref<128xi32, #tpu.memory_space<vmem>>) semaphore(%arg17 : memref<!tpu.dma_semaphore, #tpu.memory_space<semaphore_mem>>)
    %scan3A_64 = arith.constant 0 : i32
    %scan3A_65 = arith.constant 0 : i32
    %scan3A_66 = arith.constant 20 : i32
    %scan3A_67 = arith.addi %scan3A_65, %scan3A_66 : i32
    %scan3A_68 = arith.constant 1 : i32
    scf.for %scan3A_98 = %scan3A_65 to %scan3A_67 step %scan3A_68  : i32 {
      %mul3A_99 = arith.constant 2 : i32
      %mul3A_100 = arith.muli %mul3A_99, %scan3A_98 : i32
      %mul3A_101 = arith.constant 2 : i32
      %mul3A_102 = arith.muli %mul3A_101, %scan3A_98 : i32
      %add3A_103 = arith.constant 1 : i32
      %add3A_104 = arith.addi %mul3A_102, %add3A_103 : i32
      %dma_wait3A_105 = arith.constant 0 : i32
      %dma_wait3A_106 = tpu.memref_slice %arg13[%mul3A_100, %dma_wait3A_105] : memref<40x128xi32, #tpu.memory_space<vmem>> -> memref<1x128xi32, #tpu.memory_space<vmem>>
      %dma_wait3A_107 = tpu.memref_squeeze %dma_wait3A_106 : memref<1x128xi32, #tpu.memory_space<vmem>> -> memref<128xi32, #tpu.memory_space<vmem>>
      %dma_wait3A_108 = arith.constant 0 : i32
      %dma_wait3A_109 = arith.constant 0 : i32
      %dma_wait3A_110 = tpu.memref_slice %arg3[%dma_wait3A_108, %dma_wait3A_109] : memref<10000x128xf32, #tpu.memory_space<hbm>> -> memref<10000x128xf32, #tpu.memory_space<hbm>>
      tpu.wait_indirect_dma semaphore(%arg17 : memref<!tpu.dma_semaphore, #tpu.memory_space<semaphore_mem>>) src(%dma_wait3A_110 : memref<10000x128xf32, #tpu.memory_space<hbm>>) dst(%arg15 : memref<128x128xf32, #tpu.memory_space<vmem>>)
      %gt3A = arith.constant 0 : i32
      %gt3A_111 = arith.cmpi sgt, %scan3A_98, %gt3A : i32
      %convert_element_type3A = arith.extui %gt3A_111 : i1 to i32
      %cond3A = arith.constant 0 : i32
      %cond3A_112 = arith.cmpi ne, %convert_element_type3A, %cond3A : i32
      scf.if %cond3A_112 {
        %sub3A = arith.constant 2 : i32
        %sub3A_147 = arith.subi %add3A_104, %sub3A : i32
        %dma_wait3A_148 = arith.constant 0 : i32
        %dma_wait3A_149 = tpu.memref_slice %arg14[%sub3A_147, %dma_wait3A_148] : memref<40x128xi32, #tpu.memory_space<vmem>> -> memref<1x128xi32, #tpu.memory_space<vmem>>
        %dma_wait3A_150 = tpu.memref_squeeze %dma_wait3A_149 : memref<1x128xi32, #tpu.memory_space<vmem>> -> memref<128xi32, #tpu.memory_space<vmem>>
        %dma_wait3A_151 = arith.constant 0 : i32
        %dma_wait3A_152 = arith.constant 0 : i32
        %dma_wait3A_153 = tpu.memref_slice %arg12[%dma_wait3A_151, %dma_wait3A_152] : memref<10112x128xf32, #tpu.memory_space<vmem_shared>> -> memref<10112x128xf32, #tpu.memory_space<vmem_shared>>
        tpu.wait_indirect_dma semaphore(%arg20 : memref<!tpu.dma_semaphore, #tpu.memory_space<semaphore_mem>>) src(%arg16 : memref<128x128xf32, #tpu.memory_space<vmem>>) dst(%dma_wait3A_153 : memref<10112x128xf32, #tpu.memory_space<vmem_shared>>)
      } else {
      }
      %dma_start3A_113 = arith.constant 0 : i32
      %dma_start3A_114 = tpu.memref_slice %arg13[%add3A_104, %dma_start3A_113] : memref<40x128xi32, #tpu.memory_space<vmem>> -> memref<1x128xi32, #tpu.memory_space<vmem>>
      %dma_start3A_115 = tpu.memref_squeeze %dma_start3A_114 : memref<1x128xi32, #tpu.memory_space<vmem>> -> memref<128xi32, #tpu.memory_space<vmem>>
      %dma_start3A_116 = arith.constant 0 : i32
      %dma_start3A_117 = arith.constant 0 : i32
      %dma_start3A_118 = tpu.memref_slice %arg3[%dma_start3A_116, %dma_start3A_117] : memref<10000x128xf32, #tpu.memory_space<hbm>> -> memref<10000x128xf32, #tpu.memory_space<hbm>>
      tpu.enqueue_indirect_dma source(%dma_start3A_118 : memref<10000x128xf32, #tpu.memory_space<hbm>>) target(%arg16 : memref<128x128xf32, #tpu.memory_space<vmem>>) offsets(%dma_start3A_115 : memref<128xi32, #tpu.memory_space<vmem>>) semaphore(%arg18 : memref<!tpu.dma_semaphore, #tpu.memory_space<semaphore_mem>>)
      %dma_start3A_119 = arith.constant 0 : i32
      %dma_start3A_120 = tpu.memref_slice %arg14[%mul3A_100, %dma_start3A_119] : memref<40x128xi32, #tpu.memory_space<vmem>> -> memref<1x128xi32, #tpu.memory_space<vmem>>
      %dma_start3A_121 = tpu.memref_squeeze %dma_start3A_120 : memref<1x128xi32, #tpu.memory_space<vmem>> -> memref<128xi32, #tpu.memory_space<vmem>>
      %dma_start3A_122 = arith.constant 0 : i32
      %dma_start3A_123 = arith.constant 0 : i32
      %dma_start3A_124 = tpu.memref_slice %arg12[%dma_start3A_122, %dma_start3A_123] : memref<10112x128xf32, #tpu.memory_space<vmem_shared>> -> memref<10112x128xf32, #tpu.memory_space<vmem_shared>>
      tpu.enqueue_indirect_dma source(%arg15 : memref<128x128xf32, #tpu.memory_space<vmem>>) target(%dma_start3A_124 : memref<10112x128xf32, #tpu.memory_space<vmem_shared>>) offsets(%dma_start3A_121 : memref<128xi32, #tpu.memory_space<vmem>>) semaphore(%arg19 : memref<!tpu.dma_semaphore, #tpu.memory_space<semaphore_mem>>) {add = true}
      %dma_wait3A_125 = arith.constant 0 : i32
      %dma_wait3A_126 = tpu.memref_slice %arg13[%add3A_104, %dma_wait3A_125] : memref<40x128xi32, #tpu.memory_space<vmem>> -> memref<1x128xi32, #tpu.memory_space<vmem>>
      %dma_wait3A_127 = tpu.memref_squeeze %dma_wait3A_126 : memref<1x128xi32, #tpu.memory_space<vmem>> -> memref<128xi32, #tpu.memory_space<vmem>>
      %dma_wait3A_128 = arith.constant 0 : i32
      %dma_wait3A_129 = arith.constant 0 : i32
      %dma_wait3A_130 = tpu.memref_slice %arg3[%dma_wait3A_128, %dma_wait3A_129] : memref<10000x128xf32, #tpu.memory_space<hbm>> -> memref<10000x128xf32, #tpu.memory_space<hbm>>
      tpu.wait_indirect_dma semaphore(%arg18 : memref<!tpu.dma_semaphore, #tpu.memory_space<semaphore_mem>>) src(%dma_wait3A_130 : memref<10000x128xf32, #tpu.memory_space<hbm>>) dst(%arg16 : memref<128x128xf32, #tpu.memory_space<vmem>>)
      %dma_wait3A_131 = arith.constant 0 : i32
      %dma_wait3A_132 = tpu.memref_slice %arg14[%mul3A_100, %dma_wait3A_131] : memref<40x128xi32, #tpu.memory_space<vmem>> -> memref<1x128xi32, #tpu.memory_space<vmem>>
      %dma_wait3A_133 = tpu.memref_squeeze %dma_wait3A_132 : memref<1x128xi32, #tpu.memory_space<vmem>> -> memref<128xi32, #tpu.memory_space<vmem>>
      %dma_wait3A_134 = arith.constant 0 : i32
      %dma_wait3A_135 = arith.constant 0 : i32
      %dma_wait3A_136 = tpu.memref_slice %arg12[%dma_wait3A_134, %dma_wait3A_135] : memref<10112x128xf32, #tpu.memory_space<vmem_shared>> -> memref<10112x128xf32, #tpu.memory_space<vmem_shared>>
      tpu.wait_indirect_dma semaphore(%arg19 : memref<!tpu.dma_semaphore, #tpu.memory_space<semaphore_mem>>) src(%arg15 : memref<128x128xf32, #tpu.memory_space<vmem>>) dst(%dma_wait3A_136 : memref<10112x128xf32, #tpu.memory_space<vmem_shared>>)
      %lt3A = arith.constant 19 : i32
      %lt3A_137 = arith.cmpi slt, %scan3A_98, %lt3A : i32
      %convert_element_type3A_138 = arith.extui %lt3A_137 : i1 to i32
      %cond3A_139 = arith.constant 0 : i32
      %cond3A_140 = arith.cmpi ne, %convert_element_type3A_138, %cond3A_139 : i32
      scf.if %cond3A_140 {
        %add3A_147 = arith.constant 2 : i32
        %add3A_148 = arith.addi %mul3A_100, %add3A_147 : i32
        %dma_start3A_149 = arith.constant 0 : i32
        %dma_start3A_150 = tpu.memref_slice %arg13[%add3A_148, %dma_start3A_149] : memref<40x128xi32, #tpu.memory_space<vmem>> -> memref<1x128xi32, #tpu.memory_space<vmem>>
        %dma_start3A_151 = tpu.memref_squeeze %dma_start3A_150 : memref<1x128xi32, #tpu.memory_space<vmem>> -> memref<128xi32, #tpu.memory_space<vmem>>
        %dma_start3A_152 = arith.constant 0 : i32
        %dma_start3A_153 = arith.constant 0 : i32
        %dma_start3A_154 = tpu.memref_slice %arg3[%dma_start3A_152, %dma_start3A_153] : memref<10000x128xf32, #tpu.memory_space<hbm>> -> memref<10000x128xf32, #tpu.memory_space<hbm>>
        tpu.enqueue_indirect_dma source(%dma_start3A_154 : memref<10000x128xf32, #tpu.memory_space<hbm>>) target(%arg15 : memref<128x128xf32, #tpu.memory_space<vmem>>) offsets(%dma_start3A_151 : memref<128xi32, #tpu.memory_space<vmem>>) semaphore(%arg17 : memref<!tpu.dma_semaphore, #tpu.memory_space<semaphore_mem>>)
      } else {
      }
      %dma_start3A_141 = arith.constant 0 : i32
      %dma_start3A_142 = tpu.memref_slice %arg14[%add3A_104, %dma_start3A_141] : memref<40x128xi32, #tpu.memory_space<vmem>> -> memref<1x128xi32, #tpu.memory_space<vmem>>
      %dma_start3A_143 = tpu.memref_squeeze %dma_start3A_142 : memref<1x128xi32, #tpu.memory_space<vmem>> -> memref<128xi32, #tpu.memory_space<vmem>>
      %dma_start3A_144 = arith.constant 0 : i32
      %dma_start3A_145 = arith.constant 0 : i32
      %dma_start3A_146 = tpu.memref_slice %arg12[%dma_start3A_144, %dma_start3A_145] : memref<10112x128xf32, #tpu.memory_space<vmem_shared>> -> memref<10112x128xf32, #tpu.memory_space<vmem_shared>>
      tpu.enqueue_indirect_dma source(%arg16 : memref<128x128xf32, #tpu.memory_space<vmem>>) target(%dma_start3A_146 : memref<10112x128xf32, #tpu.memory_space<vmem_shared>>) offsets(%dma_start3A_143 : memref<128xi32, #tpu.memory_space<vmem>>) semaphore(%arg20 : memref<!tpu.dma_semaphore, #tpu.memory_space<semaphore_mem>>) {add = true}
    }
    %scan3A_69 = arith.constant 20 : i32
    %dma_wait3A_70 = arith.constant 39 : i32
    %dma_wait3A_71 = arith.constant 0 : i32
    %dma_wait3A_72 = tpu.memref_slice %arg14[%dma_wait3A_70, %dma_wait3A_71] : memref<40x128xi32, #tpu.memory_space<vmem>> -> memref<1x128xi32, #tpu.memory_space<vmem>>
    %dma_wait3A_73 = tpu.memref_squeeze %dma_wait3A_72 : memref<1x128xi32, #tpu.memory_space<vmem>> -> memref<128xi32, #tpu.memory_space<vmem>>
    %dma_wait3A_74 = arith.constant 0 : i32
    %dma_wait3A_75 = arith.constant 0 : i32
    %dma_wait3A_76 = tpu.memref_slice %arg12[%dma_wait3A_74, %dma_wait3A_75] : memref<10112x128xf32, #tpu.memory_space<vmem_shared>> -> memref<10112x128xf32, #tpu.memory_space<vmem_shared>>
    tpu.wait_indirect_dma semaphore(%arg20 : memref<!tpu.dma_semaphore, #tpu.memory_space<semaphore_mem>>) src(%arg16 : memref<128x128xf32, #tpu.memory_space<vmem>>) dst(%dma_wait3A_76 : memref<10112x128xf32, #tpu.memory_space<vmem_shared>>)
    "tpu.region"() ({
      %run_scoped3A = tpu.sem_alloc : memref<!tpu.dma_semaphore, #tpu.memory_space<semaphore_mem>>
      %dma_start3A_98 = arith.constant 0 : i32
      %dma_start3A_99 = tpu.memref_slice %arg8[%add3A, %dma_start3A_98] : memref<1280x128xi32, #tpu.memory_space<hbm>> -> memref<40x128xi32, #tpu.memory_space<hbm>>
      %dma_start3A_100 = arith.constant 0 : i32
      %dma_start3A_101 = tpu.memref_slice %arg8[%add3A, %dma_start3A_100] : memref<1280x128xi32, #tpu.memory_space<hbm>> -> memref<40x128xi32, #tpu.memory_space<hbm>>
      tpu.enqueue_dma source(%dma_start3A_101 : memref<40x128xi32, #tpu.memory_space<hbm>>) target(%arg13 : memref<40x128xi32, #tpu.memory_space<vmem>>) target_semaphore(%run_scoped3A : memref<!tpu.dma_semaphore, #tpu.memory_space<semaphore_mem>>)
      %dma_wait3A_102 = arith.constant 0 : i32
      %dma_wait3A_103 = tpu.memref_slice %arg8[%add3A, %dma_wait3A_102] : memref<1280x128xi32, #tpu.memory_space<hbm>> -> memref<40x128xi32, #tpu.memory_space<hbm>>
      %dma_wait3A_104 = arith.constant 0 : i32
      %dma_wait3A_105 = tpu.memref_slice %arg8[%add3A, %dma_wait3A_104] : memref<1280x128xi32, #tpu.memory_space<hbm>> -> memref<40x128xi32, #tpu.memory_space<hbm>>
      tpu.wait_dma2 semaphore(%run_scoped3A : memref<!tpu.dma_semaphore, #tpu.memory_space<semaphore_mem>>) src(%dma_wait3A_105 : memref<40x128xi32, #tpu.memory_space<hbm>>) dst(%arg13 : memref<40x128xi32, #tpu.memory_space<vmem>>)
      tpu.yield
    }) : () -> ()
    "tpu.region"() ({
      %run_scoped3A = tpu.sem_alloc : memref<!tpu.dma_semaphore, #tpu.memory_space<semaphore_mem>>
      %dma_start3A_98 = arith.constant 0 : i32
      %dma_start3A_99 = tpu.memref_slice %arg9[%add3A, %dma_start3A_98] : memref<1280x128xi32, #tpu.memory_space<hbm>> -> memref<40x128xi32, #tpu.memory_space<hbm>>
      %dma_start3A_100 = arith.constant 0 : i32
      %dma_start3A_101 = tpu.memref_slice %arg9[%add3A, %dma_start3A_100] : memref<1280x128xi32, #tpu.memory_space<hbm>> -> memref<40x128xi32, #tpu.memory_space<hbm>>
      tpu.enqueue_dma source(%dma_start3A_101 : memref<40x128xi32, #tpu.memory_space<hbm>>) target(%arg14 : memref<40x128xi32, #tpu.memory_space<vmem>>) target_semaphore(%run_scoped3A : memref<!tpu.dma_semaphore, #tpu.memory_space<semaphore_mem>>)
      %dma_wait3A_102 = arith.constant 0 : i32
      %dma_wait3A_103 = tpu.memref_slice %arg9[%add3A, %dma_wait3A_102] : memref<1280x128xi32, #tpu.memory_space<hbm>> -> memref<40x128xi32, #tpu.memory_space<hbm>>
      %dma_wait3A_104 = arith.constant 0 : i32
      %dma_wait3A_105 = tpu.memref_slice %arg9[%add3A, %dma_wait3A_104] : memref<1280x128xi32, #tpu.memory_space<hbm>> -> memref<40x128xi32, #tpu.memory_space<hbm>>
      tpu.wait_dma2 semaphore(%run_scoped3A : memref<!tpu.dma_semaphore, #tpu.memory_space<semaphore_mem>>) src(%dma_wait3A_105 : memref<40x128xi32, #tpu.memory_space<hbm>>) dst(%arg14 : memref<40x128xi32, #tpu.memory_space<vmem>>)
      tpu.yield
    }) : () -> ()
    %dma_start3A_77 = arith.constant 0 : i32
    %dma_start3A_78 = arith.constant 0 : i32
    %dma_start3A_79 = tpu.memref_slice %arg13[%dma_start3A_77, %dma_start3A_78] : memref<40x128xi32, #tpu.memory_space<vmem>> -> memref<1x128xi32, #tpu.memory_space<vmem>>
    %dma_start3A_80 = tpu.memref_squeeze %dma_start3A_79 : memref<1x128xi32, #tpu.memory_space<vmem>> -> memref<128xi32, #tpu.memory_space<vmem>>
    %dma_start3A_81 = arith.constant 0 : i32
    %dma_start3A_82 = arith.constant 0 : i32
    %dma_start3A_83 = tpu.memref_slice %arg2[%dma_start3A_81, %dma_start3A_82] : memref<10000x128xf32, #tpu.memory_space<hbm>> -> memref<10000x128xf32, #tpu.memory_space<hbm>>
    tpu.enqueue_indirect_dma source(%dma_start3A_83 : memref<10000x128xf32, #tpu.memory_space<hbm>>) target(%arg15 : memref<128x128xf32, #tpu.memory_space<vmem>>) offsets(%dma_start3A_80 : memref<128xi32, #tpu.memory_space<vmem>>) semaphore(%arg17 : memref<!tpu.dma_semaphore, #tpu.memory_space<semaphore_mem>>)
    %scan3A_84 = arith.constant 0 : i32
    %scan3A_85 = arith.constant 0 : i32
    %scan3A_86 = arith.constant 20 : i32
    %scan3A_87 = arith.addi %scan3A_85, %scan3A_86 : i32
    %scan3A_88 = arith.constant 1 : i32
    scf.for %scan3A_98 = %scan3A_85 to %scan3A_87 step %scan3A_88  : i32 {
      %mul3A_99 = arith.constant 2 : i32
      %mul3A_100 = arith.muli %mul3A_99, %scan3A_98 : i32
      %mul3A_101 = arith.constant 2 : i32
      %mul3A_102 = arith.muli %mul3A_101, %scan3A_98 : i32
      %add3A_103 = arith.constant 1 : i32
      %add3A_104 = arith.addi %mul3A_102, %add3A_103 : i32
      %dma_wait3A_105 = arith.constant 0 : i32
      %dma_wait3A_106 = tpu.memref_slice %arg13[%mul3A_100, %dma_wait3A_105] : memref<40x128xi32, #tpu.memory_space<vmem>> -> memref<1x128xi32, #tpu.memory_space<vmem>>
      %dma_wait3A_107 = tpu.memref_squeeze %dma_wait3A_106 : memref<1x128xi32, #tpu.memory_space<vmem>> -> memref<128xi32, #tpu.memory_space<vmem>>
      %dma_wait3A_108 = arith.constant 0 : i32
      %dma_wait3A_109 = arith.constant 0 : i32
      %dma_wait3A_110 = tpu.memref_slice %arg2[%dma_wait3A_108, %dma_wait3A_109] : memref<10000x128xf32, #tpu.memory_space<hbm>> -> memref<10000x128xf32, #tpu.memory_space<hbm>>
      tpu.wait_indirect_dma semaphore(%arg17 : memref<!tpu.dma_semaphore, #tpu.memory_space<semaphore_mem>>) src(%dma_wait3A_110 : memref<10000x128xf32, #tpu.memory_space<hbm>>) dst(%arg15 : memref<128x128xf32, #tpu.memory_space<vmem>>)
      %gt3A = arith.constant 0 : i32
      %gt3A_111 = arith.cmpi sgt, %scan3A_98, %gt3A : i32
      %convert_element_type3A = arith.extui %gt3A_111 : i1 to i32
      %cond3A = arith.constant 0 : i32
      %cond3A_112 = arith.cmpi ne, %convert_element_type3A, %cond3A : i32
      scf.if %cond3A_112 {
        %sub3A = arith.constant 2 : i32
        %sub3A_147 = arith.subi %add3A_104, %sub3A : i32
        %dma_wait3A_148 = arith.constant 0 : i32
        %dma_wait3A_149 = tpu.memref_slice %arg14[%sub3A_147, %dma_wait3A_148] : memref<40x128xi32, #tpu.memory_space<vmem>> -> memref<1x128xi32, #tpu.memory_space<vmem>>
        %dma_wait3A_150 = tpu.memref_squeeze %dma_wait3A_149 : memref<1x128xi32, #tpu.memory_space<vmem>> -> memref<128xi32, #tpu.memory_space<vmem>>
        %dma_wait3A_151 = arith.constant 0 : i32
        %dma_wait3A_152 = arith.constant 0 : i32
        %dma_wait3A_153 = tpu.memref_slice %arg12[%dma_wait3A_151, %dma_wait3A_152] : memref<10112x128xf32, #tpu.memory_space<vmem_shared>> -> memref<10112x128xf32, #tpu.memory_space<vmem_shared>>
        tpu.wait_indirect_dma semaphore(%arg20 : memref<!tpu.dma_semaphore, #tpu.memory_space<semaphore_mem>>) src(%arg16 : memref<128x128xf32, #tpu.memory_space<vmem>>) dst(%dma_wait3A_153 : memref<10112x128xf32, #tpu.memory_space<vmem_shared>>)
      } else {
      }
      %dma_start3A_113 = arith.constant 0 : i32
      %dma_start3A_114 = tpu.memref_slice %arg13[%add3A_104, %dma_start3A_113] : memref<40x128xi32, #tpu.memory_space<vmem>> -> memref<1x128xi32, #tpu.memory_space<vmem>>
      %dma_start3A_115 = tpu.memref_squeeze %dma_start3A_114 : memref<1x128xi32, #tpu.memory_space<vmem>> -> memref<128xi32, #tpu.memory_space<vmem>>
      %dma_start3A_116 = arith.constant 0 : i32
      %dma_start3A_117 = arith.constant 0 : i32
      %dma_start3A_118 = tpu.memref_slice %arg2[%dma_start3A_116, %dma_start3A_117] : memref<10000x128xf32, #tpu.memory_space<hbm>> -> memref<10000x128xf32, #tpu.memory_space<hbm>>
      tpu.enqueue_indirect_dma source(%dma_start3A_118 : memref<10000x128xf32, #tpu.memory_space<hbm>>) target(%arg16 : memref<128x128xf32, #tpu.memory_space<vmem>>) offsets(%dma_start3A_115 : memref<128xi32, #tpu.memory_space<vmem>>) semaphore(%arg18 : memref<!tpu.dma_semaphore, #tpu.memory_space<semaphore_mem>>)
      %dma_start3A_119 = arith.constant 0 : i32
      %dma_start3A_120 = tpu.memref_slice %arg14[%mul3A_100, %dma_start3A_119] : memref<40x128xi32, #tpu.memory_space<vmem>> -> memref<1x128xi32, #tpu.memory_space<vmem>>
      %dma_start3A_121 = tpu.memref_squeeze %dma_start3A_120 : memref<1x128xi32, #tpu.memory_space<vmem>> -> memref<128xi32, #tpu.memory_space<vmem>>
      %dma_start3A_122 = arith.constant 0 : i32
      %dma_start3A_123 = arith.constant 0 : i32
      %dma_start3A_124 = tpu.memref_slice %arg12[%dma_start3A_122, %dma_start3A_123] : memref<10112x128xf32, #tpu.memory_space<vmem_shared>> -> memref<10112x128xf32, #tpu.memory_space<vmem_shared>>
      tpu.enqueue_indirect_dma source(%arg15 : memref<128x128xf32, #tpu.memory_space<vmem>>) target(%dma_start3A_124 : memref<10112x128xf32, #tpu.memory_space<vmem_shared>>) offsets(%dma_start3A_121 : memref<128xi32, #tpu.memory_space<vmem>>) semaphore(%arg19 : memref<!tpu.dma_semaphore, #tpu.memory_space<semaphore_mem>>) {add = true}
      %dma_wait3A_125 = arith.constant 0 : i32
      %dma_wait3A_126 = tpu.memref_slice %arg13[%add3A_104, %dma_wait3A_125] : memref<40x128xi32, #tpu.memory_space<vmem>> -> memref<1x128xi32, #tpu.memory_space<vmem>>
      %dma_wait3A_127 = tpu.memref_squeeze %dma_wait3A_126 : memref<1x128xi32, #tpu.memory_space<vmem>> -> memref<128xi32, #tpu.memory_space<vmem>>
      %dma_wait3A_128 = arith.constant 0 : i32
      %dma_wait3A_129 = arith.constant 0 : i32
      %dma_wait3A_130 = tpu.memref_slice %arg2[%dma_wait3A_128, %dma_wait3A_129] : memref<10000x128xf32, #tpu.memory_space<hbm>> -> memref<10000x128xf32, #tpu.memory_space<hbm>>
      tpu.wait_indirect_dma semaphore(%arg18 : memref<!tpu.dma_semaphore, #tpu.memory_space<semaphore_mem>>) src(%dma_wait3A_130 : memref<10000x128xf32, #tpu.memory_space<hbm>>) dst(%arg16 : memref<128x128xf32, #tpu.memory_space<vmem>>)
      %dma_wait3A_131 = arith.constant 0 : i32
      %dma_wait3A_132 = tpu.memref_slice %arg14[%mul3A_100, %dma_wait3A_131] : memref<40x128xi32, #tpu.memory_space<vmem>> -> memref<1x128xi32, #tpu.memory_space<vmem>>
      %dma_wait3A_133 = tpu.memref_squeeze %dma_wait3A_132 : memref<1x128xi32, #tpu.memory_space<vmem>> -> memref<128xi32, #tpu.memory_space<vmem>>
      %dma_wait3A_134 = arith.constant 0 : i32
      %dma_wait3A_135 = arith.constant 0 : i32
      %dma_wait3A_136 = tpu.memref_slice %arg12[%dma_wait3A_134, %dma_wait3A_135] : memref<10112x128xf32, #tpu.memory_space<vmem_shared>> -> memref<10112x128xf32, #tpu.memory_space<vmem_shared>>
      tpu.wait_indirect_dma semaphore(%arg19 : memref<!tpu.dma_semaphore, #tpu.memory_space<semaphore_mem>>) src(%arg15 : memref<128x128xf32, #tpu.memory_space<vmem>>) dst(%dma_wait3A_136 : memref<10112x128xf32, #tpu.memory_space<vmem_shared>>)
      %lt3A = arith.constant 19 : i32
      %lt3A_137 = arith.cmpi slt, %scan3A_98, %lt3A : i32
      %convert_element_type3A_138 = arith.extui %lt3A_137 : i1 to i32
      %cond3A_139 = arith.constant 0 : i32
      %cond3A_140 = arith.cmpi ne, %convert_element_type3A_138, %cond3A_139 : i32
      scf.if %cond3A_140 {
        %add3A_147 = arith.constant 2 : i32
        %add3A_148 = arith.addi %mul3A_100, %add3A_147 : i32
        %dma_start3A_149 = arith.constant 0 : i32
        %dma_start3A_150 = tpu.memref_slice %arg13[%add3A_148, %dma_start3A_149] : memref<40x128xi32, #tpu.memory_space<vmem>> -> memref<1x128xi32, #tpu.memory_space<vmem>>
        %dma_start3A_151 = tpu.memref_squeeze %dma_start3A_150 : memref<1x128xi32, #tpu.memory_space<vmem>> -> memref<128xi32, #tpu.memory_space<vmem>>
        %dma_start3A_152 = arith.constant 0 : i32
        %dma_start3A_153 = arith.constant 0 : i32
        %dma_start3A_154 = tpu.memref_slice %arg2[%dma_start3A_152, %dma_start3A_153] : memref<10000x128xf32, #tpu.memory_space<hbm>> -> memref<10000x128xf32, #tpu.memory_space<hbm>>
        tpu.enqueue_indirect_dma source(%dma_start3A_154 : memref<10000x128xf32, #tpu.memory_space<hbm>>) target(%arg15 : memref<128x128xf32, #tpu.memory_space<vmem>>) offsets(%dma_start3A_151 : memref<128xi32, #tpu.memory_space<vmem>>) semaphore(%arg17 : memref<!tpu.dma_semaphore, #tpu.memory_space<semaphore_mem>>)
      } else {
      }
      %dma_start3A_141 = arith.constant 0 : i32
      %dma_start3A_142 = tpu.memref_slice %arg14[%add3A_104, %dma_start3A_141] : memref<40x128xi32, #tpu.memory_space<vmem>> -> memref<1x128xi32, #tpu.memory_space<vmem>>
      %dma_start3A_143 = tpu.memref_squeeze %dma_start3A_142 : memref<1x128xi32, #tpu.memory_space<vmem>> -> memref<128xi32, #tpu.memory_space<vmem>>
      %dma_start3A_144 = arith.constant 0 : i32
      %dma_start3A_145 = arith.constant 0 : i32
      %dma_start3A_146 = tpu.memref_slice %arg12[%dma_start3A_144, %dma_start3A_145] : memref<10112x128xf32, #tpu.memory_space<vmem_shared>> -> memref<10112x128xf32, #tpu.memory_space<vmem_shared>>
      tpu.enqueue_indirect_dma source(%arg16 : memref<128x128xf32, #tpu.memory_space<vmem>>) target(%dma_start3A_146 : memref<10112x128xf32, #tpu.memory_space<vmem_shared>>) offsets(%dma_start3A_143 : memref<128xi32, #tpu.memory_space<vmem>>) semaphore(%arg20 : memref<!tpu.dma_semaphore, #tpu.memory_space<semaphore_mem>>) {add = true}
    }
    %scan3A_89 = arith.constant 20 : i32
    %dma_wait3A_90 = arith.constant 39 : i32
    %dma_wait3A_91 = arith.constant 0 : i32
    %dma_wait3A_92 = tpu.memref_slice %arg14[%dma_wait3A_90, %dma_wait3A_91] : memref<40x128xi32, #tpu.memory_space<vmem>> -> memref<1x128xi32, #tpu.memory_space<vmem>>
    %dma_wait3A_93 = tpu.memref_squeeze %dma_wait3A_92 : memref<1x128xi32, #tpu.memory_space<vmem>> -> memref<128xi32, #tpu.memory_space<vmem>>
    %dma_wait3A_94 = arith.constant 0 : i32
    %dma_wait3A_95 = arith.constant 0 : i32
    %dma_wait3A_96 = tpu.memref_slice %arg12[%dma_wait3A_94, %dma_wait3A_95] : memref<10112x128xf32, #tpu.memory_space<vmem_shared>> -> memref<10112x128xf32, #tpu.memory_space<vmem_shared>>
    tpu.wait_indirect_dma semaphore(%arg20 : memref<!tpu.dma_semaphore, #tpu.memory_space<semaphore_mem>>) src(%arg16 : memref<128x128xf32, #tpu.memory_space<vmem>>) dst(%dma_wait3A_96 : memref<10112x128xf32, #tpu.memory_space<vmem_shared>>)
    %barrier3A_97 = arith.constant 0 : index
    tpu.barrier barrier_id(%barrier3A_97)
    "tpu.region"() ({
      %run_scoped3A = tpu.sem_alloc : memref<!tpu.dma_semaphore, #tpu.memory_space<semaphore_mem>>
      %dma_start3A_98 = arith.constant 0 : i32
      %dma_start3A_99 = tpu.memref_slice %arg10[%arg0, %mul3A_0, %dma_start3A_98] : memref<2x10112x128xf32, #tpu.memory_space<hbm>> -> memref<1x632x128xf32, #tpu.memory_space<hbm>>
      %dma_start3A_100 = tpu.memref_squeeze %dma_start3A_99 : memref<1x632x128xf32, #tpu.memory_space<hbm>> -> memref<632x128xf32, #tpu.memory_space<hbm>>
      %dma_start3A_101 = arith.constant 0 : i32
      %dma_start3A_102 = tpu.memref_slice %arg12[%mul3A_0, %dma_start3A_101] : memref<10112x128xf32, #tpu.memory_space<vmem_shared>> -> memref<632x128xf32, #tpu.memory_space<vmem_shared>>
      tpu.enqueue_dma source(%dma_start3A_102 : memref<632x128xf32, #tpu.memory_space<vmem_shared>>) target(%dma_start3A_100 : memref<632x128xf32, #tpu.memory_space<hbm>>) target_semaphore(%run_scoped3A : memref<!tpu.dma_semaphore, #tpu.memory_space<semaphore_mem>>)
      %dma_wait3A_103 = arith.constant 0 : i32
      %dma_wait3A_104 = tpu.memref_slice %arg10[%arg0, %mul3A_0, %dma_wait3A_103] : memref<2x10112x128xf32, #tpu.memory_space<hbm>> -> memref<1x632x128xf32, #tpu.memory_space<hbm>>
      %dma_wait3A_105 = tpu.memref_squeeze %dma_wait3A_104 : memref<1x632x128xf32, #tpu.memory_space<hbm>> -> memref<632x128xf32, #tpu.memory_space<hbm>>
      %dma_wait3A_106 = arith.constant 0 : i32
      %dma_wait3A_107 = tpu.memref_slice %arg12[%mul3A_0, %dma_wait3A_106] : memref<10112x128xf32, #tpu.memory_space<vmem_shared>> -> memref<632x128xf32, #tpu.memory_space<vmem_shared>>
      tpu.wait_dma2 semaphore(%run_scoped3A : memref<!tpu.dma_semaphore, #tpu.memory_space<semaphore_mem>>) src(%dma_wait3A_107 : memref<632x128xf32, #tpu.memory_space<vmem_shared>>) dst(%dma_wait3A_105 : memref<632x128xf32, #tpu.memory_space<hbm>>)
      tpu.yield
    }) : () -> ()
    return
  }
}

</mosaic_0001>

<sc_bundles>
// kernel: kernel.3.cloned.1.call-start
scs
__scs_entry_jumppad:
0x0: {  	(pc) =	sbr.rel $0x88, $3  }
0x1: {  	(tag) =	ssettag $0x0;
	lr =	simm.s32 $0x1  }
0x2: {  	[smem:$0x3F9C] =	sst lr;
	_ =	strace $0xD0000000  }
0x3: {  	_ = 	snop  }
0x4: {  	_ = 	snop  }
0x5: {  	_ = 	snop  }
0x6: {  	_ = 	snop  }
0x7: {  	_ = 	snop  }
__scs_overlays_trampoline_lowered:
0x8: {  	[smem:$0x3FAB] =	sst s0  }
0x9: {  	[smem:$0x3FAC] =	sst s1  }
0xa: {  	[smem:$0x3FAD] =	sst s2  }
0xb: {  	[smem:$0x3FAE] =	sst s3  }
0xc: {  	[smem:$0x3FAF] =	sst s4  }
0xd: {  	[smem:$0x3FB0] =	sst s5  }
0xe: {  	[smem:$0x3FB1] =	sst s6  }
0xf: {  	[smem:$0x3FB2] =	sst s7  }
0x10: {  	[smem:$0x3FB3] =	sst s8  }
0x11: {  	[smem:$0x3FB4] =	sst s9;
	s0 =	simm.s32 @!p0 $0x0  }
0x12: {  	s1 =	sld [smem:$0x3F9A];
	s0 =	simm.s32 @p0 $0x1  }
0x13: {  	[smem:$0x3FB5] =	sst s0;
	s0 =	simm.s32 @!p1 $0x0  }
0x14: {  	s2 =	sld [smem:$0x3F99];
	s0 =	simm.s32 @p1 $0x1  }
0x15: {  	[smem:$0x3FB6] =	sst s0;
	s0 =	simm.s32 @!p2 $0x0  }
0x16: {  	s3 =	sld [smem:$0x3FDB];
	s0 =	simm.s32 @p2 $0x1  }
0x17: {  	s4 =	simm.s32 $0x1BF5;
	[smem:$0x3FB8] =	sst s0  }
0x18: {  	s0 =	sld [smem:$0x3F9B];
	_ =	swait.ge [sflag:s4], $0x0  }
0x19: {  	s7 =	sld [smem:$0x3F9C]  }
0x1a: {  	s8 =	sadd.s32 $0xFFFFE003, lr  }
0x1b: {  	s9 =	sadd.s32 $0xFFFFFEF7, lr;
	s5 =	simm.s32 $0xFFFFFFFF;
	p2 =	slt.u32 s8, $0xFFFFF086  }
0x1c: {  	p1 =	slt.u32 s9, $0xF7A;
	s5 =	simm.s32 @!p2 $0x0  }
0x1d: {  	s5 =	simm.s32 @p1 $0x1;
	p0 =	seq.s32 s7, s2  }
0x1e: {  	s7 =	smul.u32 @!p0 $0xF7A, s2;
	p2 =	seq.s32 @!p0 s5, $0x0  }
0x1f: {  	s9 =	smul.u32 $0xF7A, s1;
	s8 =	simm.s32 @!p0 $0x1BF5;
	p2 =	por !p2, p0  }
0x20: {  	[sflag:s8] =	ssyncset.s32 @!p0 $0xFFFFF086;
	s6 =	sadd.s32 @!p0 s3, s7;
	s7 =	simm.s32 @!p0 $0x108  }
0x21: {  	s3 =	sadd.s32 s3, s9;
	s6 =	sadd.s32 @!p0 $0x88, s6;
	s7 =	simm.s32 @p2 $0x1082  }
0x22: {  	[simem:s7], [sflag:s8] =	dma.local @!p0 [hbm:s6], $0xF7A  }
0x23: {  	s9 =	sor.u32 $0xD0000000, s2;
	s6 =	simm.s32 $0x108;
	_ =	swait.ge @!p0 [sflag:s8], $0x0  }
0x24: {  	s3 =	sadd.s32 $0x88, s3;
	s6 =	simm.s32 @!p1 $0x1082;
	[sflag:s4] =	ssyncset.s32 $0xFFFFF086  }
0x25: {  	[simem:s6], [sflag:s4] =	dma.local [hbm:s3], $0xF7A  }
0x26: {  	[smem:$0x3F9C] =	sst s1;
	(tag) =	ssettag s2;
	_ =	strace s9  }
0x27: {  	s1 =	sld [smem:$0x3FAC]  }
0x28: {  	s2 =	sld [smem:$0x3FAD]  }
0x29: {  	s4 =	sld [smem:$0x3FAF]  }
0x2a: {  	p0 =	seq.s32 s5, $0x0;
	s5 =	sld [smem:$0x3FB0]  }
0x2b: {  	s6 =	sld [smem:$0x3FB1]  }
0x2c: {  	s7 =	sld [smem:$0x3FB2]  }
0x2d: {  	s3 =	simm.s32 $0x108;
	s8 =	sld [smem:$0x3FB3]  }
0x2e: {  	s3 =	simm.s32 @!p0 $0x1082;
	s9 =	sld [smem:$0x3FB4]  }
0x2f: {  	lr =	sadd.s32 s0, s3;
	s0 =	sld [smem:$0x3FAB]  }
0x30: {  	s3 =	sld [smem:$0x3FAE]  }
0x31: {  	[smem:$0x3FB7] =	sst s10  }
0x32: {  	s10 =	sld [smem:$0x3FB5];
	_ =	sdelay $0x3  }
0x33: {  	p0 =	seq.s32 s10, $0x1;
	s10 =	sld [smem:$0x3FB7];
	_ =	sdelay $0x3  }
0x34: {  	[smem:$0x3FB7] =	sst s10  }
0x35: {  	s10 =	sld [smem:$0x3FB6];
	_ =	sdelay $0x3  }
0x36: {  	p1 =	seq.s32 s10, $0x1;
	s10 =	sld [smem:$0x3FB7];
	_ =	sdelay $0x3  }
0x37: {  	[smem:$0x3FB7] =	sst s10  }
0x38: {  	s10 =	sld [smem:$0x3FB8]  }
0x39: {  	_ = 	snop;
	(pc) =	sbr.ind lr, $3  }
0x3a: {  	_ = 	snop  }
0x3b: {  	_ = 	snop  }
0x3c: {  	p2 =	seq.s32 s10, $0x1;
	s10 =	sld [smem:$0x3FB7]  }
0x3d: {  	_ =	shalt  }
0x3e: {  	_ =	shalt  }
0x3f: {  	_ =	shalt  }
0x40: {  	_ =	shalt  }
0x41: {  	_ =	shalt  }
0x42: {  	_ =	shalt  }
0x43: {  	_ =	shalt  }
0x44: {  	_ =	shalt  }
0x45: {  	_ =	shalt  }
0x46: {  	_ =	shalt  }
0x47: {  	_ =	shalt  }
0x48: {  	_ =	shalt  }
0x49: {  	_ =	shalt  }
0x4a: {  	_ =	shalt  }
0x4b: {  	_ =	shalt  }
0x4c: {  	_ =	shalt  }
0x4d: {  	_ =	shalt  }
0x4e: {  	_ =	shalt  }
0x4f: {  	_ =	shalt  }
0x50: {  	_ =	shalt  }
0x51: {  	_ =	shalt  }
0x52: {  	_ =	shalt  }
0x53: {  	_ =	shalt  }
0x54: {  	_ =	shalt  }
0x55: {  	_ =	shalt  }
0x56: {  	_ =	shalt  }
0x57: {  	_ =	shalt  }
0x58: {  	_ =	shalt  }
0x59: {  	_ =	shalt  }
0x5a: {  	_ =	shalt  }
0x5b: {  	_ =	shalt  }
0x5c: {  	_ =	shalt  }
0x5d: {  	_ =	shalt  }
0x5e: {  	_ =	shalt  }
0x5f: {  	_ =	shalt  }
0x60: {  	_ =	shalt  }
0x61: {  	_ =	shalt  }
0x62: {  	_ =	shalt  }
0x63: {  	_ =	shalt  }
0x64: {  	_ =	shalt  }
0x65: {  	_ =	shalt  }
0x66: {  	_ =	shalt  }
0x67: {  	_ =	shalt  }
0x68: {  	_ =	shalt  }
0x69: {  	_ =	shalt  }
0x6a: {  	_ =	shalt  }
0x6b: {  	_ =	shalt  }
0x6c: {  	_ =	shalt  }
0x6d: {  	_ =	shalt  }
0x6e: {  	_ =	shalt  }
0x6f: {  	_ =	shalt  }
0x70: {  	_ =	shalt  }
0x71: {  	_ =	shalt  }
0x72: {  	_ =	shalt  }
0x73: {  	_ =	shalt  }
0x74: {  	_ =	shalt  }
0x75: {  	_ =	shalt  }
0x76: {  	_ =	shalt  }
0x77: {  	_ =	shalt  }
0x78: {  	_ =	shalt  }
0x79: {  	_ =	shalt  }
0x7a: {  	_ =	shalt  }
0x7b: {  	_ =	shalt  }
0x7c: {  	_ =	shalt  }
0x7d: {  	_ =	shalt  }
0x7e: {  	_ =	shalt  }
0x7f: {  	_ =	shalt  }
0x80: {  	_ =	shalt  }
0x81: {  	_ =	shalt  }
0x82: {  	_ =	shalt  }
0x83: {  	_ =	shalt  }
0x84: {  	_ =	shalt  }
0x85: {  	_ =	shalt  }
0x86: {  	_ =	shalt  }
0x87: {  	_ =	shalt  }
.Lfunc_end0:
.L_simem_size_0:
called_computation_lowered:
.L_overlay_start_0:
0x88: {  	s2 =	sld [smem:$0x3FD9]  }
0x89: {  	s3 =	sld [smem:$0x3FFE];
	_ =	sdelay $0x1  }
0x8a: {  	s1 =	srdreg.scid  }
0x8b: {  	s0 =	sand.u32 $0x1, s1  }
0x8c: {  	s14 =	sshll.u32 s0, $0xA;
	s2 =	sadd.s32 s3, s2  }
0x8d: {  	s2 =	sadd.s32 s2, s14  }
0x8e: {  	[smem:$0x3FC3] =	sst s2  }
0x8f: {  	_ = 	snop  }
0x90: {  	s2 =	sld [smem:$0x3FD0];
	_ =	sdelay $0x1  }
0x91: {  	s15 =	sld [smem:$0x3FC9]  }
0x92: {  	s5 =	simm.s32 $0xA;
	s6 =	simm.s32 $0x10;
	s4 =	sld [smem:$0x3FC8]  }
0x93: {  	[smem:s6], [sflag:s5] =	dma.local [hbm:s2], $0x1  }
0x94: {  	_ =	swait.eq [sflag:s5], $0x1  }
0x95: {  	[sflag:s5] =	ssyncset.done $0x0  }
0x96: {  	s16 =	sld [smem:$0x10];
	[sflag:s5] =	ssyncadd.s32 $0xFFFFFFFF  }
0x97: {  	s17 =	sld [smem:$0x11];
	(tm) =	ssettm $0x1  }
0x98: {  	s18 =	sld [smem:$0x3FFB];
	_ =	sdelay $0x3  }
0x99: {  	_ =	strace s18  }
0x9a: {  	s6 =	sld [smem:$0x3FFC];
	_ =	sdelay $0x3  }
0x9b: {  	_ =	strace s6  }
0x9c: {  	s6 =	sld [smem:$0x3FFD];
	_ =	sdelay $0x3  }
0x9d: {  	_ =	strace s6  }
0x9e: {  	_ =	strace $0x8FFFFFFF  }
0x9f: {  	s19 =	sld [smem:$0x3FDB];
	_ =	sdelay $0x1  }
0xa0: {  	s7 =	simm.s32 $_scs_section_size  }
0xa1: {  	s8 =	simm.s32 $_size__tile_overlayer_lowered;
	s9 =	simm.s32 $_tile_overlayer_lowered  }
0xa2: {  	s22 =	simm.s32 $0x1BFF;
	s21 =	sshll.u32 s9, $0x1;
	s6 =	sadd.s32 s7, s19  }
0xa3: {  	s10 =	simm.s32 $0x0;
	s20 =	sshll.u32 s8, $0x1;
	s8 =	sadd.s32 s21, s6  }
0xa4: {  	[timem:s10], [sflag:s22] =	dma.local [hbm:s8], s20  }
0xa5: {  	_ =	swait.ge [sflag:s22], s20  }
0xa6: {  	s7 =	ssub.s32 $0x0, s20;
	[sflag:s22] =	ssyncset.done $0x0  }
0xa7: {  	[sflag:s22] =	ssyncadd.s32 s7;
	_ =	sdelay $0x1  }
0xa8: {  	s23 =	simm.s32 $0x1B8B  }
0xa9: {  	_ =	swait.ge [sflag:s23], $0x1  }
0xaa: {  	[sflag:s23] =	ssyncset.done $0x0  }
0xab: {  	s25 =	simm.s32 $0x1B8E;
	s24 =	sld [smem:$0x3FFE];
	[sflag:s23] =	ssyncadd.s32 $0xFFFFFFFF  }
0xac: {  	s26 =	simm.s32 $execute0_lowered;
	[smem:$0x3FD2] =	sst s25  }
0xad: {  	s8 =	sshll.u32 s26, $0x1;
	_ =	strace $0x80000046;
	[dreg:$0x1] =	wrdreg $0xFFFFFFFF  }
0xae: {  	s28 =	simm.s32 $_size_execute0_lowered;
	s6 =	sadd.s32 s6, s8;
	[dreg:$0x0] =	wrdreg $0x0  }
0xaf: {  	s8 =	sshll.u32 s28, $0x1;
	[dreg:$0x2] =	wrdreg s6  }
0xb0: {  	[dreg:$0x3] =	wrdreg s8  }
0xb1: {  	[dreg:$0x4] =	wrdreg $0xC0  }
0xb2: {  	_ =	task [dreg:s10], $0x5FFFF  }
0xb3: {  	[dreg:$0x1] =	wrdreg $0xFFFFFFFF  }
0xb4: {  	[dreg:$0x0] =	wrdreg $0x60  }
0xb5: {  	[dreg:$0x2] =	wrdreg s15  }
0xb6: {  	[dreg:$0x3] =	wrdreg s4  }
0xb7: {  	[dreg:$0x4] =	wrdreg s24  }
0xb8: {  	[dreg:$0x5] =	wrdreg s16  }
0xb9: {  	[dreg:$0x6] =	wrdreg s17  }
0xba: {  	[dreg:$0x7] =	wrdreg $0x0  }
0xbb: {  	[dreg:$0x8] =	wrdreg $0x9  }
0xbc: {  	_ =	task.clear_ibuf [dreg:s10], $0x9FFFF;
	_ =	strace $0x90000046  }
0xbd: {  	s29 =	simm.s32 $0x9;
	_ =	strace $0x80000048  }
0xbe: {  	_ =	swait.ge [sflag:s29], $0x1  }
0xbf: {  	[sflag:s29] =	ssyncadd.s32 $0xFFFFFFFF  }
0xc0: {  	_ =	strace $0x90000048  }
0xc1: {  	_ =	sfence  }
0xc2: {  	s30 =	sld [smem:$0x0];
	_ =	sdelay $0x2  }
0xc3: {  	s31 =	sshll.u32 s1, $0xD;
	s1 =	sshrl.u32 s1, $0x2  }
0xc4: {  	s3 =	sand.u32 $0x4000, s31;
	s1 =	sadd.s32 s1, s30  }
0xc5: {  	s0 =	sor.u32 s3, s0;
	s1 =	sshll.u32 s1, $0x11  }
0xc6: {  	s0 =	sor.u32 s1, s0  }
0xc7: {  	s0 =	sadd.s32 $0x8F2B, s0  }
0xc8: {  	[sflag:s0] =	ssyncadd.remote.s32 $0x1  }
0xc9: {  	_ =	sfence.sel $0xFFFF  }
0xca: {  	[dreg:$0x0] =	wrdreg $0xFFFFFFFF;
	(pc) =	sbr.abs _section_cstart, $3  }
0xcb: {  	[dreg:$0x1] =	wrdreg $0xFFFFFFFF  }
0xcc: {  	_ =	task.clear_ibuf [dreg:s10], $0x2FFFF;
	_ =	strace $0x9FFFFFFF  }
0xcd: {  	(tm) =	ssettm $0x7FFFFFFF  }
tec
execute0_lowered:
.L_overlay_start_1:
0x0: {  	(tag) =	ssettag $0x1  }
0x1: {  	s0 =	rddreg [dreg:$0x0]  }
0x2: {  	s1 =	rddreg [dreg:$0x1]  }
0x3: {  	s2 =	rddreg [dreg:$0x2]  }
0x4: {  	s3 =	rddreg [dreg:$0x3];
	s4 =	srdreg.scid  }
0x5: {  	s12 =	rddreg [dreg:$0x4];
	s10 =	stileid.u32  }
0x6: {  	s5 =	simm.s32 $0x0;
	s28 =	simm.s32 $0x1A400;
	s8 =	smul.u32 $0x13C00, s10  }
0x7: {  	s29 =	simm.s32 $0x2;
	s30 =	simm.s32 $0x3;
	s19 =	smul.u32 $0x28, s10  }
0x8: {  	s6 =	sand.u32 $0x1, s4;
	s4 =	rddreg [dreg:$0x5];
	s10 =	smul.u32 $0x4F000, s10  }
0x9: {  	s31 =	simm.s32 $0x13D00;
	[smem:$0x7FF] =	sst s5;
	s7 =	smul.u32 $0x13C000, s6  }
0xa: {  	s9 =	smul.u32 $0x280, s6;
	_ =	strace $0x80000047;
	s6 =	ssub.s32 $0x2, s6  }
0xb: {  	s20 =	sshrl.u32 s6, $0x1;
	s21 =	sshrl.u32 s10, $0x2;
	s7 =	sadd.s32 s8, s7  }
0xc: {  	s8 =	sadd.s32 s19, s9;
	s14 =	ssub.s32 s6, s20;
	s6 =	sadd.s32 s21, s4  }
0xd: {  	s20 =	simm.s32 $0x16400;
	s21 =	simm.s32 $0x5;
	s7 =	sshrl.u32 s7, $0x3  }
0xe: {  	s15 =	sshll.u32 s8, $0x4;
	s8 =	sadd.s32 $0x8000, s6;
	s10 =	sadd.s32 $0xC000, s6  }
0xf: {  	s11 =	sadd.s32 $0x10000, s6;
	s19 =	smax.u32 s14, $0x1;
	s13 =	sadd.s32 s7, s2  }
0x10: {  	s7 =	sadd.s32 $0x4000, s6;
	s9 =	sadd.s32 s2, s15;
	s24 =	sadd.s32 s3, s15  }
0x11: {  	s26 =	sadd.s32 s12, s15;
	s3 =	simm.s32 $0x15080;
	[dreg:$0xa] =	wrdreg s24  }
0x12: {  	s12 =	simm.s32 $0x0;
	s2 =	sadd.s32 $0x5000, s9;
	[dreg:$0xc] =	wrdreg s26  }
.Ltmp0:
0x13: {  	s22 =	sadd.s32 $0x63000, s13;
	[dreg:$0x7] =	wrdreg s2;
	(pc) =	sbr.rel .LBB2_1-.Ltmp0, $4  }
0x14: {  	s23 =	sadd.s32 $0xA000, s9;
	s25 =	sadd.s32 $0xF000, s9;
	[dreg:$0x8] =	wrdreg s22  }
0x15: {  	s18 =	sadd.s32 $0x14000, s13;
	s24 =	simm.s32 $0x80;
	[dreg:$0x9] =	wrdreg s23  }
0x16: {  	s26 =	simm.s32 $0x13C80;
	[dreg:$0xb] =	wrdreg s25;
	s22 =	simm.s32 $0x13C00  }
0x17: {  	v0 =	vimm.f32 $0.0e+00;
	s23 =	simm.s32 $0x15000;
	s25 =	simm.s32 $0x1;
	s2 =	simm.s32 $0x4  }
.LBB2_14:
0x18: {  	[spmem:s4] =	stream.indirect.scatter.add.f32 [tilespmem:s28], [sflag:$0x4], $0x80, s17, s24, $0xb8;
	[tilespmem:$0x1E400] =	vst v63  }
0x19: {  	_ =	swait.ge [sflag:s2], $0x4000  }
0x1a: {  	s12 =	sadd.s32 $0x1, s12;
	[sflag:s2] =	ssyncset.done $0x0  }
0x1b: {  	p0 =	sne.s32 s12, s19;
	[sflag:s2] =	ssyncadd.s32 $0xFFFFC000  }
.Ltmp1:
0x1c: {  	[bflag:$0x0] =	sbarrier.arrive $0xFFFF;
	(pc) =	sbr.rel @!p0 .LBB2_15-.Ltmp1, $4  }
0x1d: {  	[hbm:s18], [sflag:s13] =	dma.local [spmem:s14], $0x2780  }
0x1e: {  	_ =	swait.ge [sflag:s21], $0x2780  }
0x1f: {  	[sflag:s21] =	ssyncset.done $0x0  }
0x20: {  	[sflag:s21] =	ssyncadd.s32 $0xFFFFD880  }
.LBB2_1:
0x21: {  	s13 =	simm.s32 $0x0;
	s14 =	simm.s32 $0x200  }
.LBB2_2:
0x22: {  	p0 =	sne.s32 s14, $0xFE00;
	[tilespmem:s13+$0x16470] =	vst v0  }
0x23: {  	[tilespmem:s13+$0x16400] =	vst v0  }
0x24: {  	[tilespmem:s13+$0x16410] =	vst v0  }
.Ltmp2:
0x25: {  	[tilespmem:s13+$0x16420] =	vst v0;
	(pc) =	sbr.rel @p0 .LBB2_2-.Ltmp2, $4  }
0x26: {  	[tilespmem:s13+$0x16430] =	vst v0  }
0x27: {  	[tilespmem:s13+$0x16440] =	vst v0  }
0x28: {  	[tilespmem:s13+$0x16450] =	vst v0  }
0x29: {  	[tilespmem:s13+$0x16460] =	vst v0;
	s13 =	sshra.s32 s14, $0x2;
	s14 =	sadd.s32 $0x200, s14  }
0x2a: {  	[tilespmem:s13+$0x16470] =	vst v0  }
0x2b: {  	[tilespmem:s13+$0x16400] =	vst v0  }
0x2c: {  	[tilespmem:s13+$0x16410] =	vst v0  }
0x2d: {  	[tilespmem:s13+$0x16420] =	vst v0  }
0x2e: {  	[tilespmem:s13+$0x16430] =	vst v0  }
0x2f: {  	[tilespmem:s13+$0x16440] =	vst v0  }
0x30: {  	[tilespmem:s13+$0x16450] =	vst v0  }
0x31: {  	[tilespmem:s13+$0x16460] =	vst v0  }
0x32: {  	[spmem:s6] =	stream.linear.scatter [tilespmem:s20], [sflag:$0x5], $0x4000, $0x38;
	[tilespmem:$0x1E400] =	vst v63  }
0x33: {  	_ =	swait.ge [sflag:s21], $0x4000  }
0x34: {  	[sflag:s21] =	ssyncset.done $0x0  }
0x35: {  	[sflag:s21] =	ssyncadd.s32 $0xFFFFC000  }
0x36: {  	[spmem:s7] =	stream.linear.scatter [tilespmem:s20], [sflag:$0x5], $0x4000, $0x38;
	[tilespmem:$0x1E400] =	vst v63  }
0x37: {  	_ =	swait.ge [sflag:s21], $0x4000  }
0x38: {  	[sflag:s21] =	ssyncset.done $0x0  }
0x39: {  	[sflag:s21] =	ssyncadd.s32 $0xFFFFC000  }
0x3a: {  	[spmem:s8] =	stream.linear.scatter [tilespmem:s20], [sflag:$0x5], $0x4000, $0x38;
	[tilespmem:$0x1E400] =	vst v63  }
0x3b: {  	_ =	swait.ge [sflag:s21], $0x4000  }
0x3c: {  	[sflag:s21] =	ssyncset.done $0x0  }
0x3d: {  	[sflag:s21] =	ssyncadd.s32 $0xFFFFC000  }
0x3e: {  	[spmem:s10] =	stream.linear.scatter [tilespmem:s20], [sflag:$0x5], $0x4000, $0x38;
	[tilespmem:$0x1E400] =	vst v63  }
0x3f: {  	_ =	swait.ge [sflag:s21], $0x4000  }
0x40: {  	[sflag:s21] =	ssyncset.done $0x0  }
0x41: {  	[sflag:s21] =	ssyncadd.s32 $0xFFFFC000  }
0x42: {  	[spmem:s11] =	stream.linear.scatter [tilespmem:s20], [sflag:$0x5], $0x3C00, $0x38;
	[tilespmem:$0x1E400] =	vst v63  }
0x43: {  	_ =	swait.ge [sflag:s21], $0x3C00  }
0x44: {  	[sflag:s21] =	ssyncset.done $0x0  }
0x45: {  	[sflag:s21] =	ssyncadd.s32 $0xFFFFC400  }
0x46: {  	[bflag:$0x0] =	sbarrier.arrive $0xFFFF  }
0x47: {  	s17 =	rddreg [dreg:$0x7]  }
0x48: {  	[tilespmem:s22], [sflag:$0x5] =	stream.linear.gather [hbm4b:s17+s5], $0x1400, $0x38;
	[tilespmem:$0x1E400] =	vst v63  }
0x49: {  	_ =	swait.ge [sflag:s21], $0x1400  }
0x4a: {  	[sflag:s21] =	ssyncset.done $0x0  }
0x4b: {  	[sflag:s21] =	ssyncadd.s32 $0xFFFFEC00  }
0x4c: {  	[tilespmem:s23], [sflag:$0x5] =	stream.linear.gather [hbm4b:s9+s5], $0x1400, $0x38;
	[tilespmem:$0x1E400] =	vst v63  }
0x4d: {  	_ =	swait.ge [sflag:s21], $0x1400  }
0x4e: {  	[sflag:s21] =	ssyncset.done $0x0  }
0x4f: {  	[sflag:s21] =	ssyncadd.s32 $0xFFFFEC00  }
0x50: {  	[tilespmem:s20], [sflag:$0x1] =	stream.indirect.gather [hbm4b:s0+s24], $0x80, s22, s24, $0xb8;
	[tilespmem:$0x1E400] =	vst v63  }
0x51: {  	_ =	swait.ge [sflag:s25], $0x4000  }
0x52: {  	[sflag:s25] =	ssyncset.done $0x0  }
0x53: {  	[sflag:s25] =	ssyncadd.s32 $0xFFFFC000  }
0x54: {  	[tilespmem:s28], [sflag:$0x2] =	stream.indirect.gather [hbm4b:s0+s24], $0x80, s26, s24, $0xb8;
	[tilespmem:$0x1E400] =	vst v63  }
0x55: {  	_ = 	snop  }
0x56: {  	[spmem:s4] =	stream.indirect.scatter.add.f32 [tilespmem:s20], [sflag:$0x3], $0x80, s23, s24, $0xb8;
	[tilespmem:$0x1E400] =	vst v63  }
0x57: {  	_ =	swait.ge [sflag:s29], $0x4000  }
0x58: {  	[sflag:s29] =	ssyncset.done $0x0  }
0x59: {  	[sflag:s29] =	ssyncadd.s32 $0xFFFFC000  }
0x5a: {  	_ =	swait.ge [sflag:s30], $0x4000  }
0x5b: {  	[sflag:s30] =	ssyncset.done $0x0  }
0x5c: {  	[sflag:s30] =	ssyncadd.s32 $0xFFFFC000  }
0x5d: {  	[tilespmem:s20], [sflag:$0x1] =	stream.indirect.gather [hbm4b:s0+s24], $0x80, s31, s24, $0xb8;
	[tilespmem:$0x1E400] =	vst v63  }
0x5e: {  	s13 =	simm.s32 $0xFFFFB800  }
0x5f: {  	[spmem:s4] =	stream.indirect.scatter.add.f32 [tilespmem:s28], [sflag:$0x4], $0x80, s3, s24, $0xb8;
	[tilespmem:$0x1E400] =	vst v63  }
.LBB2_4:
0x60: {  	_ =	swait.ge [sflag:s25], $0x4000  }
0x61: {  	[sflag:s25] =	ssyncset.done $0x0  }
0x62: {  	[sflag:s25] =	ssyncadd.s32 $0xFFFFC000  }
0x63: {  	_ =	swait.ge [sflag:s2], $0x4000  }
0x64: {  	s14 =	sshra.s32 s13, $0x2;
	[sflag:s2] =	ssyncset.done $0x0  }
0x65: {  	s15 =	sadd.s32 $0x14F80, s14;
	[sflag:s2] =	ssyncadd.s32 $0xFFFFC000  }
0x66: {  	[tilespmem:s28], [sflag:$0x2] =	stream.indirect.gather [hbm4b:s0+s24], $0x80, s15, s24, $0xb8;
	[tilespmem:$0x1E400] =	vst v63  }
0x67: {  	s17 =	sadd.s32 $0x16300, s14  }
0x68: {  	[spmem:s4] =	stream.indirect.scatter.add.f32 [tilespmem:s20], [sflag:$0x3], $0x80, s17, s24, $0xb8;
	[tilespmem:$0x1E400] =	vst v63  }
0x69: {  	p0 =	seq.s32 s13, $0x0;
	_ =	swait.ge [sflag:s29], $0x4000  }
.Ltmp3:
0x6a: {  	[sflag:s29] =	ssyncset.done $0x0;
	(pc) =	sbr.rel @p0 .LBB2_6-.Ltmp3, $4  }
0x6b: {  	[sflag:s29] =	ssyncadd.s32 $0xFFFFC000  }
0x6c: {  	_ =	swait.ge [sflag:s30], $0x4000  }
0x6d: {  	[sflag:s30] =	ssyncset.done $0x0  }
0x6e: {  	s15 =	sadd.s32 $0x16380, s14;
	[sflag:s30] =	ssyncadd.s32 $0xFFFFC000  }
.Ltmp4:
0x6f: {  	(pc) =	sbr.rel .LBB2_4-.Ltmp4, $4  }
0x70: {  	s14 =	sadd.s32 $0x15000, s14  }
0x71: {  	[tilespmem:s20], [sflag:$0x1] =	stream.indirect.gather [hbm4b:s0+s24], $0x80, s14, s24, $0xb8;
	[tilespmem:$0x1E400] =	vst v63  }
0x72: {  	s13 =	sadd.s32 $0x400, s13  }
0x73: {  	[spmem:s4] =	stream.indirect.scatter.add.f32 [tilespmem:s28], [sflag:$0x4], $0x80, s15, s24, $0xb8;
	[tilespmem:$0x1E400] =	vst v63  }
.LBB2_6:
0x74: {  	[spmem:s4] =	stream.indirect.scatter.add.f32 [tilespmem:s28], [sflag:$0x4], $0x80, s15, s24, $0xb8;
	[tilespmem:$0x1E400] =	vst v63  }
0x75: {  	_ =	swait.ge [sflag:s2], $0x4000  }
0x76: {  	[sflag:s2] =	ssyncset.done $0x0  }
0x77: {  	s13 =	stileid.u32;
	[sflag:s2] =	ssyncadd.s32 $0xFFFFC000  }
0x78: {  	s13 =	sshll.u32 s13, $0x6;
	[bflag:$0x0] =	sbarrier.arrive $0xFFFF  }
0x79: {  	s14 =	sshrl.u32 s6, $0x3;
	s13 =	sor.u32 $0x1C05, s13;
	s17 =	rddreg [dreg:$0x8]  }
0x7a: {  	[hbm:s17], [sflag:s13] =	dma.local [spmem:s14], $0x2780  }
0x7b: {  	_ =	swait.ge [sflag:s21], $0x2780  }
0x7c: {  	[sflag:s21] =	ssyncset.done $0x0  }
0x7d: {  	s15 =	simm.s32 $0x0;
	s16 =	simm.s32 $0x200;
	[sflag:s21] =	ssyncadd.s32 $0xFFFFD880  }
.LBB2_7:
0x7e: {  	p0 =	sne.s32 s16, $0xFE00;
	[tilespmem:s15+$0x16470] =	vst v0  }
0x7f: {  	[tilespmem:s15+$0x16400] =	vst v0  }
0x80: {  	[tilespmem:s15+$0x16410] =	vst v0  }
.Ltmp5:
0x81: {  	[tilespmem:s15+$0x16420] =	vst v0;
	(pc) =	sbr.rel @p0 .LBB2_7-.Ltmp5, $4  }
0x82: {  	[tilespmem:s15+$0x16430] =	vst v0  }
0x83: {  	[tilespmem:s15+$0x16440] =	vst v0  }
0x84: {  	[tilespmem:s15+$0x16450] =	vst v0  }
0x85: {  	[tilespmem:s15+$0x16460] =	vst v0;
	s15 =	sshra.s32 s16, $0x2;
	s16 =	sadd.s32 $0x200, s16  }
0x86: {  	[tilespmem:s15+$0x16470] =	vst v0  }
0x87: {  	[tilespmem:s15+$0x16400] =	vst v0  }
0x88: {  	[tilespmem:s15+$0x16410] =	vst v0  }
0x89: {  	[tilespmem:s15+$0x16420] =	vst v0  }
0x8a: {  	[tilespmem:s15+$0x16430] =	vst v0  }
0x8b: {  	[tilespmem:s15+$0x16440] =	vst v0  }
0x8c: {  	[tilespmem:s15+$0x16450] =	vst v0  }
0x8d: {  	[tilespmem:s15+$0x16460] =	vst v0  }
0x8e: {  	[spmem:s6] =	stream.linear.scatter [tilespmem:s20], [sflag:$0x5], $0x4000, $0x38;
	[tilespmem:$0x1E400] =	vst v63  }
0x8f: {  	_ =	swait.ge [sflag:s21], $0x4000  }
0x90: {  	[sflag:s21] =	ssyncset.done $0x0  }
0x91: {  	[sflag:s21] =	ssyncadd.s32 $0xFFFFC000  }
0x92: {  	[spmem:s7] =	stream.linear.scatter [tilespmem:s20], [sflag:$0x5], $0x4000, $0x38;
	[tilespmem:$0x1E400] =	vst v63  }
0x93: {  	_ =	swait.ge [sflag:s21], $0x4000  }
0x94: {  	[sflag:s21] =	ssyncset.done $0x0  }
0x95: {  	[sflag:s21] =	ssyncadd.s32 $0xFFFFC000  }
0x96: {  	[spmem:s8] =	stream.linear.scatter [tilespmem:s20], [sflag:$0x5], $0x4000, $0x38;
	[tilespmem:$0x1E400] =	vst v63  }
0x97: {  	_ =	swait.ge [sflag:s21], $0x4000  }
0x98: {  	[sflag:s21] =	ssyncset.done $0x0  }
0x99: {  	[sflag:s21] =	ssyncadd.s32 $0xFFFFC000  }
0x9a: {  	[spmem:s10] =	stream.linear.scatter [tilespmem:s20], [sflag:$0x5], $0x4000, $0x38;
	[tilespmem:$0x1E400] =	vst v63  }
0x9b: {  	_ =	swait.ge [sflag:s21], $0x4000  }
0x9c: {  	[sflag:s21] =	ssyncset.done $0x0  }
0x9d: {  	[sflag:s21] =	ssyncadd.s32 $0xFFFFC000  }
0x9e: {  	[spmem:s11] =	stream.linear.scatter [tilespmem:s20], [sflag:$0x5], $0x3C00, $0x38;
	[tilespmem:$0x1E400] =	vst v63  }
0x9f: {  	_ =	swait.ge [sflag:s21], $0x3C00  }
0xa0: {  	[sflag:s21] =	ssyncset.done $0x0  }
0xa1: {  	[sflag:s21] =	ssyncadd.s32 $0xFFFFC400  }
0xa2: {  	[bflag:$0x0] =	sbarrier.arrive $0xFFFF  }
0xa3: {  	s16 =	rddreg [dreg:$0x9]  }
0xa4: {  	[tilespmem:s22], [sflag:$0x5] =	stream.linear.gather [hbm4b:s16+s5], $0x1400, $0x38;
	[tilespmem:$0x1E400] =	vst v63  }
0xa5: {  	_ =	swait.ge [sflag:s21], $0x1400  }
0xa6: {  	[sflag:s21] =	ssyncset.done $0x0  }
0xa7: {  	s17 =	rddreg [dreg:$0xa];
	[sflag:s21] =	ssyncadd.s32 $0xFFFFEC00  }
0xa8: {  	[tilespmem:s23], [sflag:$0x5] =	stream.linear.gather [hbm4b:s17+s5], $0x1400, $0x38;
	[tilespmem:$0x1E400] =	vst v63  }
0xa9: {  	_ =	swait.ge [sflag:s21], $0x1400  }
0xaa: {  	[sflag:s21] =	ssyncset.done $0x0  }
0xab: {  	[sflag:s21] =	ssyncadd.s32 $0xFFFFEC00  }
0xac: {  	[tilespmem:s20], [sflag:$0x1] =	stream.indirect.gather [hbm4b:s1+s24], $0x80, s22, s24, $0xb8;
	[tilespmem:$0x1E400] =	vst v63  }
0xad: {  	_ =	swait.ge [sflag:s25], $0x4000  }
0xae: {  	[sflag:s25] =	ssyncset.done $0x0  }
0xaf: {  	[sflag:s25] =	ssyncadd.s32 $0xFFFFC000  }
0xb0: {  	[tilespmem:s28], [sflag:$0x2] =	stream.indirect.gather [hbm4b:s1+s24], $0x80, s26, s24, $0xb8;
	[tilespmem:$0x1E400] =	vst v63  }
0xb1: {  	_ = 	snop  }
0xb2: {  	[spmem:s4] =	stream.indirect.scatter.add.f32 [tilespmem:s20], [sflag:$0x3], $0x80, s23, s24, $0xb8;
	[tilespmem:$0x1E400] =	vst v63  }
0xb3: {  	_ =	swait.ge [sflag:s29], $0x4000  }
0xb4: {  	[sflag:s29] =	ssyncset.done $0x0  }
0xb5: {  	[sflag:s29] =	ssyncadd.s32 $0xFFFFC000  }
0xb6: {  	_ =	swait.ge [sflag:s30], $0x4000  }
0xb7: {  	[sflag:s30] =	ssyncset.done $0x0  }
0xb8: {  	[sflag:s30] =	ssyncadd.s32 $0xFFFFC000  }
0xb9: {  	[tilespmem:s20], [sflag:$0x1] =	stream.indirect.gather [hbm4b:s1+s24], $0x80, s31, s24, $0xb8;
	[tilespmem:$0x1E400] =	vst v63  }
0xba: {  	s15 =	simm.s32 $0xFFFFB800  }
0xbb: {  	[spmem:s4] =	stream.indirect.scatter.add.f32 [tilespmem:s28], [sflag:$0x4], $0x80, s3, s24, $0xb8;
	[tilespmem:$0x1E400] =	vst v63  }
.LBB2_9:
0xbc: {  	_ =	swait.ge [sflag:s25], $0x4000  }
0xbd: {  	[sflag:s25] =	ssyncset.done $0x0  }
0xbe: {  	[sflag:s25] =	ssyncadd.s32 $0xFFFFC000  }
0xbf: {  	_ =	swait.ge [sflag:s2], $0x4000  }
0xc0: {  	s16 =	sshra.s32 s15, $0x2;
	[sflag:s2] =	ssyncset.done $0x0  }
0xc1: {  	s17 =	sadd.s32 $0x14F80, s16;
	[sflag:s2] =	ssyncadd.s32 $0xFFFFC000  }
0xc2: {  	[tilespmem:s28], [sflag:$0x2] =	stream.indirect.gather [hbm4b:s1+s24], $0x80, s17, s24, $0xb8;
	[tilespmem:$0x1E400] =	vst v63  }
0xc3: {  	s17 =	sadd.s32 $0x16300, s16  }
0xc4: {  	[spmem:s4] =	stream.indirect.scatter.add.f32 [tilespmem:s20], [sflag:$0x3], $0x80, s17, s24, $0xb8;
	[tilespmem:$0x1E400] =	vst v63  }
0xc5: {  	p0 =	seq.s32 s15, $0x0;
	_ =	swait.ge [sflag:s29], $0x4000  }
.Ltmp6:
0xc6: {  	[sflag:s29] =	ssyncset.done $0x0;
	(pc) =	sbr.rel @p0 .LBB2_11-.Ltmp6, $4  }
0xc7: {  	[sflag:s29] =	ssyncadd.s32 $0xFFFFC000  }
0xc8: {  	_ =	swait.ge [sflag:s30], $0x4000  }
0xc9: {  	[sflag:s30] =	ssyncset.done $0x0  }
0xca: {  	s17 =	sadd.s32 $0x16380, s16;
	[sflag:s30] =	ssyncadd.s32 $0xFFFFC000  }
.Ltmp7:
0xcb: {  	(pc) =	sbr.rel .LBB2_9-.Ltmp7, $4  }
0xcc: {  	s16 =	sadd.s32 $0x15000, s16  }
0xcd: {  	[tilespmem:s20], [sflag:$0x1] =	stream.indirect.gather [hbm4b:s1+s24], $0x80, s16, s24, $0xb8;
	[tilespmem:$0x1E400] =	vst v63  }
0xce: {  	s15 =	sadd.s32 $0x400, s15  }
0xcf: {  	[spmem:s4] =	stream.indirect.scatter.add.f32 [tilespmem:s28], [sflag:$0x4], $0x80, s17, s24, $0xb8;
	[tilespmem:$0x1E400] =	vst v63  }
.LBB2_11:
0xd0: {  	[spmem:s4] =	stream.indirect.scatter.add.f32 [tilespmem:s28], [sflag:$0x4], $0x80, s17, s24, $0xb8;
	[tilespmem:$0x1E400] =	vst v63  }
0xd1: {  	_ =	swait.ge [sflag:s2], $0x4000  }
0xd2: {  	[sflag:s2] =	ssyncset.done $0x0  }
0xd3: {  	s15 =	rddreg [dreg:$0xb];
	[sflag:s2] =	ssyncadd.s32 $0xFFFFC000  }
0xd4: {  	[tilespmem:s22], [sflag:$0x5] =	stream.linear.gather [hbm4b:s15+s5], $0x1400, $0x38;
	[tilespmem:$0x1E400] =	vst v63  }
0xd5: {  	_ =	swait.ge [sflag:s21], $0x1400  }
0xd6: {  	[sflag:s21] =	ssyncset.done $0x0  }
0xd7: {  	s17 =	rddreg [dreg:$0xc];
	[sflag:s21] =	ssyncadd.s32 $0xFFFFEC00  }
0xd8: {  	[tilespmem:s23], [sflag:$0x5] =	stream.linear.gather [hbm4b:s17+s5], $0x1400, $0x38;
	[tilespmem:$0x1E400] =	vst v63  }
0xd9: {  	_ =	swait.ge [sflag:s21], $0x1400  }
0xda: {  	[sflag:s21] =	ssyncset.done $0x0  }
0xdb: {  	[sflag:s21] =	ssyncadd.s32 $0xFFFFEC00  }
0xdc: {  	[tilespmem:s20], [sflag:$0x1] =	stream.indirect.gather [hbm4b:s0+s24], $0x80, s22, s24, $0xb8;
	[tilespmem:$0x1E400] =	vst v63  }
0xdd: {  	_ =	swait.ge [sflag:s25], $0x4000  }
0xde: {  	[sflag:s25] =	ssyncset.done $0x0  }
0xdf: {  	[sflag:s25] =	ssyncadd.s32 $0xFFFFC000  }
0xe0: {  	[tilespmem:s28], [sflag:$0x2] =	stream.indirect.gather [hbm4b:s0+s24], $0x80, s26, s24, $0xb8;
	[tilespmem:$0x1E400] =	vst v63  }
0xe1: {  	_ = 	snop  }
0xe2: {  	[spmem:s4] =	stream.indirect.scatter.add.f32 [tilespmem:s20], [sflag:$0x3], $0x80, s23, s24, $0xb8;
	[tilespmem:$0x1E400] =	vst v63  }
0xe3: {  	_ =	swait.ge [sflag:s29], $0x4000  }
0xe4: {  	[sflag:s29] =	ssyncset.done $0x0  }
0xe5: {  	[sflag:s29] =	ssyncadd.s32 $0xFFFFC000  }
0xe6: {  	_ =	swait.ge [sflag:s30], $0x4000  }
0xe7: {  	[sflag:s30] =	ssyncset.done $0x0  }
0xe8: {  	[sflag:s30] =	ssyncadd.s32 $0xFFFFC000  }
0xe9: {  	[tilespmem:s20], [sflag:$0x1] =	stream.indirect.gather [hbm4b:s0+s24], $0x80, s31, s24, $0xb8;
	[tilespmem:$0x1E400] =	vst v63  }
0xea: {  	s15 =	simm.s32 $0xFFFFB800  }
0xeb: {  	[spmem:s4] =	stream.indirect.scatter.add.f32 [tilespmem:s28], [sflag:$0x4], $0x80, s3, s24, $0xb8;
	[tilespmem:$0x1E400] =	vst v63  }
.LBB2_12:
0xec: {  	_ =	swait.ge [sflag:s25], $0x4000  }
0xed: {  	[sflag:s25] =	ssyncset.done $0x0  }
0xee: {  	[sflag:s25] =	ssyncadd.s32 $0xFFFFC000  }
0xef: {  	_ =	swait.ge [sflag:s2], $0x4000  }
0xf0: {  	s16 =	sshra.s32 s15, $0x2;
	[sflag:s2] =	ssyncset.done $0x0  }
0xf1: {  	s17 =	sadd.s32 $0x14F80, s16;
	[sflag:s2] =	ssyncadd.s32 $0xFFFFC000  }
0xf2: {  	[tilespmem:s28], [sflag:$0x2] =	stream.indirect.gather [hbm4b:s0+s24], $0x80, s17, s24, $0xb8;
	[tilespmem:$0x1E400] =	vst v63  }
0xf3: {  	s17 =	sadd.s32 $0x16300, s16  }
0xf4: {  	[spmem:s4] =	stream.indirect.scatter.add.f32 [tilespmem:s20], [sflag:$0x3], $0x80, s17, s24, $0xb8;
	[tilespmem:$0x1E400] =	vst v63  }
0xf5: {  	p0 =	seq.s32 s15, $0x0;
	_ =	swait.ge [sflag:s29], $0x4000  }
.Ltmp8:
0xf6: {  	[sflag:s29] =	ssyncset.done $0x0;
	(pc) =	sbr.rel @p0 .LBB2_14-.Ltmp8, $4  }
0xf7: {  	[sflag:s29] =	ssyncadd.s32 $0xFFFFC000  }
0xf8: {  	_ =	swait.ge [sflag:s30], $0x4000  }
0xf9: {  	[sflag:s30] =	ssyncset.done $0x0  }
0xfa: {  	s17 =	sadd.s32 $0x16380, s16;
	[sflag:s30] =	ssyncadd.s32 $0xFFFFC000  }
.Ltmp9:
0xfb: {  	(pc) =	sbr.rel .LBB2_12-.Ltmp9, $4  }
0xfc: {  	s16 =	sadd.s32 $0x15000, s16  }
0xfd: {  	[tilespmem:s20], [sflag:$0x1] =	stream.indirect.gather [hbm4b:s0+s24], $0x80, s16, s24, $0xb8;
	[tilespmem:$0x1E400] =	vst v63  }
0xfe: {  	s15 =	sadd.s32 $0x400, s15  }
0xff: {  	[spmem:s4] =	stream.indirect.scatter.add.f32 [tilespmem:s28], [sflag:$0x4], $0x80, s17, s24, $0xb8;
	[tilespmem:$0x1E400] =	vst v63  }
.LBB2_15:
0x100: {  	_ =	sfence.sel $0x180000  }
0x101: {  	[bflag:$0x0] =	sbarrier.arrive $0xFFFF  }
0x102: {  	_ =	strace $0x90000047  }
0x103: {  	s0 =	stileid.u32;
	[bflag:$0x2] =	sbarrier.arrive $0xFFFF  }
0x104: {  	p0 =	sne.s32 s0, $0x0;
	s0 =	rddreg [dreg:$0x6]  }
0x105: {  	s0 =	sadd.s32 @!p0 $0x100000, s0  }
0x106: {  	[sflag:s0] =	ssyncadd.tile.s32 @!p0 $0x1;
	_ =	shalt  }
.Lfunc_end2:
_tile_overlayer_lowered:
.L_overlay_start_2:
0x107: {  	(tag) =	ssettag $0x2  }
0x108: {  	s0 =	rddreg [dreg:$0x0];
	s2 =	stileid.u32  }
0x109: {  	s1 =	rddreg [dreg:$0x1];
	p0 =	sne.s32 s2, $0x0  }
0x10a: {  	s3 =	rddreg [dreg:$0x2];
	[bflag:$0x3] =	sbarrier.arrive $0xFFFF;
	s2 =	simm.s32 @!p0 $0x1C05  }
0x10b: {  	[timem:s3], [sflag:s2] =	dma.local @!p0 [hbm:s0], s1  }
0x10c: {  	s0 =	simm.s32 @!p0 $0x5  }
0x10d: {  	_ =	swait.ge @!p0 [sflag:s0], s1  }
0x10e: {  	s1 =	ssub.s32 @!p0 $0x0, s1;
	[sflag:s0] =	ssyncset.done @!p0 $0x0  }
0x10f: {  	[sflag:s0] =	ssyncadd.s32 @!p0 s1  }
0x110: {  	[bflag:$0x3] =	sbarrier.arrive $0xFFFF  }
0x111: {  	_ =	shalt  }

</sc_bundles>
